<compile_context>
chip_gen: v7x
topology: tpu7x:2x2x1
jax: 0.10.2.dev20260603
libtpu: 0.0.44.dev20260713+nightly
codegen_flags: <defaults>
</compile_context>

<pallas_src>
import numpy as np
import jax
import jax.numpy as jnp
from jax.experimental import pallas as pl

N = 8192
N1 = 64
N2 = 128
TOPK = 5
B = 32

_HI = jax.lax.Precision.HIGHEST


def _make_tables():
    k1 = np.arange(N1)
    n1 = np.arange(N1)
    C1 = np.cos(2 * np.pi * np.outer(k1, n1) / N1).astype(np.float32)
    S1 = np.sin(2 * np.pi * np.outer(k1, n1) / N1).astype(np.float32)
    n2 = np.arange(N2)
    Ct = np.cos(2 * np.pi * np.outer(k1, n2) / N).astype(np.float32)
    St = np.sin(2 * np.pi * np.outer(k1, n2) / N).astype(np.float32)
    k2 = np.arange(N2)
    C2 = np.cos(2 * np.pi * np.outer(n2, k2) / N2).astype(np.float32)
    S2 = np.sin(2 * np.pi * np.outer(n2, k2) / N2).astype(np.float32)
    k2h = np.arange(64)
    fgrid = (k1[:, None] + N1 * k2h[None, :]).astype(np.float32)
    valid = (fgrid >= 1).astype(np.float32)
    W2h = np.concatenate([C2[:, :64], S2[:, :64]], axis=1)
    alt = ((-1.0) ** n2).astype(np.float32)[None, :]
    C2S2 = np.concatenate([C2, S2], axis=1)
    CtSt = np.concatenate([Ct, St], axis=1)
    return C1, S1, Ct, St, fgrid, valid, C2S2, CtSt, W2h, alt


_TABLES = _make_tables()


def _dft_decomp_kernel(x_ref, c1_ref, s1_ref, ct_ref, st_ref, fg_ref,
                       valid_ref, c2s2_ref, ctst_ref, w2h_ref, alt_ref,
                       season_ref, trend_ref):
    X = x_ref[...]
    C1 = c1_ref[...]
    S1 = s1_ref[...]
    Ct = ct_ref[...]
    St = st_ref[...]
    fg = fg_ref[...]
    valid = valid_ref[...]
    C2S2 = c2s2_ref[...]
    CtSt = ctst_ref[...]
    W2h = w2h_ref[...]
    alt = alt_ref[...]

    yre_l = []
    yim_l = []
    for b in range(B):
        xb = X[b]
        yre_l.append(jax.lax.dot(C1, xb, precision=_HI)[None])
        yim_l.append(-jax.lax.dot(S1, xb, precision=_HI)[None])
    Yre = jnp.concatenate(yre_l, axis=0)
    Yim = jnp.concatenate(yim_l, axis=0)

    Ypre = Yre * Ct[None] + Yim * St[None]
    Ypim = Yim * Ct[None] - Yre * St[None]

    Ypre2 = Ypre.reshape(B * N1, N2)
    Ypim2 = Ypim.reshape(B * N1, N2)
    Pcs = jax.lax.dot(Ypre2, W2h, precision=_HI)
    Qcs = jax.lax.dot(Ypim2, W2h, precision=_HI)
    Zre2 = Pcs[:, :64] + Qcs[:, 64:]
    Zim2 = Qcs[:, :64] - Pcs[:, 64:]
    Zre = Zre2.reshape(B, N1, 64)
    Zim = Zim2.reshape(B, N1, 64)
    nyre = jnp.sum(Ypre[:, 0, :] * alt, axis=1, keepdims=True)
    nyim = jnp.sum(Ypim[:, 0, :] * alt, axis=1, keepdims=True)
    nymag = (nyre * nyre + nyim * nyim).reshape(B, 1, 1)

    mag = jnp.where(valid[None] > 0, Zre * Zre + Zim * Zim, -1.0)

    season = jnp.zeros((B, N1, N2), jnp.float32)
    takenny = jnp.zeros((B, 1, 1), jnp.bool_)
    for _ in range(TOPK):
        mm = jnp.max(mag, axis=(1, 2), keepdims=True)
        nyeff = jnp.where(takenny, -1.0, nymag)
        isny = nyeff > mm
        takenny = takenny | isny
        m = jnp.where(isny, nyeff, mm)
        sel = (mag == m).astype(jnp.float32)
        isnyf = isny.astype(jnp.float32)
        a = (jnp.sum(sel * Zre, axis=(1, 2), keepdims=True)
             + isnyf * nyre[:, :, None])
        bb = (jnp.sum(sel * Zim, axis=(1, 2), keepdims=True)
              + isnyf * nyim[:, :, None])
        fsel = (jnp.sum(sel * fg[None], axis=(1, 2), keepdims=True)
                + isnyf * float(N // 2))
        k2f = jnp.floor(fsel * (1.0 / N1))
        k1f = fsel - N1 * k2f
        eps = jnp.where(fsel == float(N // 2), 1.0, 2.0)

        k1i = k1f.reshape(B, 1).astype(jnp.int32)
        k2i = k2f.reshape(B, 1).astype(jnp.int32)
        roh = (jax.lax.broadcasted_iota(jnp.int32, (B, N1), 1)
               == k1i).astype(jnp.float32)
        coh = (jax.lax.broadcasted_iota(jnp.int32, (B, N2), 1)
               == k2i).astype(jnp.float32)
        ure = jax.lax.dot(roh, C1, precision=_HI)
        uim = jax.lax.dot(roh, S1, precision=_HI)
        tt = jax.lax.dot(roh, CtSt, precision=_HI)
        twc, tws = tt[:, :N2], tt[:, N2:]
        cc = jax.lax.dot(coh, C2S2, precision=_HI)
        c2v, s2v = cc[:, :N2], cc[:, N2:]
        wre = twc * c2v - tws * s2v
        wim = twc * s2v + tws * c2v
        scale = (eps * (1.0 / N)).reshape(B, 1)
        a2 = a.reshape(B, 1)
        b2 = bb.reshape(B, 1)
        cure = scale * (a2 * ure - b2 * uim)
        cuim = scale * (a2 * uim + b2 * ure)
        season = (season + cure[:, :, None] * wre[:, None, :]
                  - cuim[:, :, None] * wim[:, None, :])
        mag = jnp.where(sel > 0, -1.0, mag)

    season_ref[...] = season
    trend_ref[...] = X - season


def _run(x3):
    nseq = x3.shape[0]
    grid = (nseq // B,)
    tabs = [jnp.asarray(t) for t in _TABLES]
    tab_specs = [pl.BlockSpec(t.shape, lambda i: (0,) * t.ndim)
                 for t in tabs]
    season3, trend3 = pl.pallas_call(
        _dft_decomp_kernel,
        grid=grid,
        in_specs=[pl.BlockSpec((B, N1, N2), lambda i: (i, 0, 0))] + tab_specs,
        out_specs=[pl.BlockSpec((B, N1, N2), lambda i: (i, 0, 0)),
                   pl.BlockSpec((B, N1, N2), lambda i: (i, 0, 0))],
        out_shape=[jax.ShapeDtypeStruct((nseq, N1, N2), jnp.float32),
                   jax.ShapeDtypeStruct((nseq, N1, N2), jnp.float32)],
    )(x3, *tabs)
    return season3, trend3


def kernel(x):
    bsz, ch, n = x.shape
    x3 = x.reshape(bsz * ch, N1, N2)
    season3, trend3 = _run(x3)
    return (season3.reshape(bsz, ch, n), trend3.reshape(bsz, ch, n))

# --- scband reference (transcript-rebuilt; emitter-appended) ---
"""Pipeline reference for scband-dft-series-decomp-60009283059822 (READ-ONLY COPY).

The authoritative reference and input builder live on the scoring server;
editing this copy changes nothing except your own understanding.
"""

import jax, jax.numpy as jnp
import numpy as np

TOP_K = 5

def setup_inputs(seed: int = 0) -> dict:
    key = jax.random.key(seed)
    x = jax.random.normal(key, (64, 32, 8192), dtype=jnp.float32)
    return {"x": x}

def reference(x):
    # xf = rfft(x) along last dim
    xf = jnp.fft.rfft(x, axis=-1)
    freq = jnp.abs(xf)
    # zero out DC component so it is never selected
    freq = freq.at[:, :, 0].set(0.0)
    # top-k frequencies per (batch, channel)
    top_k_freq, top_list = jax.lax.top_k(freq, TOP_K)
    # build boolean mask via scatter-equivalent (one-hot over freq axis)
    F = xf.shape[-1]
    mask = jnp.any(jnp.arange(F)[None, None, None, :] == top_list[:, :, :, None], axis=2)
    # zero out all non-top-k frequency components
    xf_masked = jnp.where(mask, xf, jnp.zeros_like(xf))
    x_season = jnp.fft.irfft(xf_masked, n=x.shape[-1], axis=-1)
    x_trend = x - x_season
    return (x_season, x_trend)

if __name__ == "__main__":
    import jax
    _d = setup_inputs()
    print(jax.jit(kernel)(*tuple(_d.values())))

</pallas_src>

<mosaic_0001>
module attributes {stable_mosaic.version = 14 : i64} {
  func.func @_dft_decomp_kernel(%arg0: i32, %arg1: memref<32x64x128xf32, #tpu.memory_space<vmem>>, %arg2: memref<64x64xf32, #tpu.memory_space<vmem>>, %arg3: memref<64x64xf32, #tpu.memory_space<vmem>>, %arg4: memref<64x128xf32, #tpu.memory_space<vmem>>, %arg5: memref<64x128xf32, #tpu.memory_space<vmem>>, %arg6: memref<64x64xf32, #tpu.memory_space<vmem>>, %arg7: memref<64x64xf32, #tpu.memory_space<vmem>>, %arg8: memref<128x256xf32, #tpu.memory_space<vmem>>, %arg9: memref<64x256xf32, #tpu.memory_space<vmem>>, %arg10: memref<128x128xf32, #tpu.memory_space<vmem>>, %arg11: memref<1x128xf32, #tpu.memory_space<vmem>>, %arg12: memref<32x64x128xf32, #tpu.memory_space<vmem>>, %arg13: memref<32x64x128xf32, #tpu.memory_space<vmem>>) attributes {dimension_semantics = [#tpu.dimension_semantics<arbitrary>], iteration_bounds = array<i64: 64>, scalar_prefetch = 0 : i64, scratch_operands = 0 : i64, tpu.core_type = #tpu.core_type<tc>, window_params = [{transform_indices = @transform_0, window_bounds = array<i64: 32, 64, 128>}, {pipeline_mode = #tpu.pipeline_mode<synchronous>, transform_indices = @transform_1, window_bounds = array<i64: 64, 64>}, {pipeline_mode = #tpu.pipeline_mode<synchronous>, transform_indices = @transform_2, window_bounds = array<i64: 64, 64>}, {pipeline_mode = #tpu.pipeline_mode<synchronous>, transform_indices = @transform_3, window_bounds = array<i64: 64, 128>}, {pipeline_mode = #tpu.pipeline_mode<synchronous>, transform_indices = @transform_4, window_bounds = array<i64: 64, 128>}, {pipeline_mode = #tpu.pipeline_mode<synchronous>, transform_indices = @transform_5, window_bounds = array<i64: 64, 64>}, {pipeline_mode = #tpu.pipeline_mode<synchronous>, transform_indices = @transform_6, window_bounds = array<i64: 64, 64>}, {pipeline_mode = #tpu.pipeline_mode<synchronous>, transform_indices = @transform_7, window_bounds = array<i64: 128, 256>}, {pipeline_mode = #tpu.pipeline_mode<synchronous>, transform_indices = @transform_8, window_bounds = array<i64: 64, 256>}, {pipeline_mode = #tpu.pipeline_mode<synchronous>, transform_indices = @transform_9, window_bounds = array<i64: 128, 128>}, {pipeline_mode = #tpu.pipeline_mode<synchronous>, transform_indices = @transform_10, window_bounds = array<i64: 1, 128>}, {transform_indices = @transform_11, window_bounds = array<i64: 32, 64, 128>}, {transform_indices = @transform_12, window_bounds = array<i64: 32, 64, 128>}]} {
    %get3A = arith.constant 0 : index
    %get3A_0 = arith.constant 0 : index
    %get3A_1 = arith.constant 0 : index
    %get3A_2 = vector.load %arg1[%get3A, %get3A_0, %get3A_1] : memref<32x64x128xf32, #tpu.memory_space<vmem>>, vector<32x64x128xf32>
    %get3A_3 = arith.constant 0 : index
    %get3A_4 = arith.constant 0 : index
    %get3A_5 = vector.load %arg2[%get3A_3, %get3A_4] : memref<64x64xf32, #tpu.memory_space<vmem>>, vector<64x64xf32>
    %get3A_6 = arith.constant 0 : index
    %get3A_7 = arith.constant 0 : index
    %get3A_8 = vector.load %arg3[%get3A_6, %get3A_7] : memref<64x64xf32, #tpu.memory_space<vmem>>, vector<64x64xf32>
    %get3A_9 = arith.constant 0 : index
    %get3A_10 = arith.constant 0 : index
    %get3A_11 = vector.load %arg4[%get3A_9, %get3A_10] : memref<64x128xf32, #tpu.memory_space<vmem>>, vector<64x128xf32>
    %get3A_12 = arith.constant 0 : index
    %get3A_13 = arith.constant 0 : index
    %get3A_14 = vector.load %arg5[%get3A_12, %get3A_13] : memref<64x128xf32, #tpu.memory_space<vmem>>, vector<64x128xf32>
    %get3A_15 = arith.constant 0 : index
    %get3A_16 = arith.constant 0 : index
    %get3A_17 = vector.load %arg6[%get3A_15, %get3A_16] : memref<64x64xf32, #tpu.memory_space<vmem>>, vector<64x64xf32>
    %get3A_18 = arith.constant 0 : index
    %get3A_19 = arith.constant 0 : index
    %get3A_20 = vector.load %arg7[%get3A_18, %get3A_19] : memref<64x64xf32, #tpu.memory_space<vmem>>, vector<64x64xf32>
    %get3A_21 = arith.constant 0 : index
    %get3A_22 = arith.constant 0 : index
    %get3A_23 = vector.load %arg8[%get3A_21, %get3A_22] : memref<128x256xf32, #tpu.memory_space<vmem>>, vector<128x256xf32>
    %get3A_24 = arith.constant 0 : index
    %get3A_25 = arith.constant 0 : index
    %get3A_26 = vector.load %arg9[%get3A_24, %get3A_25] : memref<64x256xf32, #tpu.memory_space<vmem>>, vector<64x256xf32>
    %get3A_27 = arith.constant 0 : index
    %get3A_28 = arith.constant 0 : index
    %get3A_29 = vector.load %arg10[%get3A_27, %get3A_28] : memref<128x128xf32, #tpu.memory_space<vmem>>, vector<128x128xf32>
    %get3A_30 = arith.constant 0 : index
    %get3A_31 = arith.constant 0 : index
    %get3A_32 = vector.load %arg11[%get3A_30, %get3A_31] : memref<1x128xf32, #tpu.memory_space<vmem>>, vector<1x128xf32>
    %slice3A = vector.extract_strided_slice %get3A_2 {offsets = [0, 0, 0], sizes = [1, 64, 128], strides = [1, 1, 1]} : vector<32x64x128xf32> to vector<1x64x128xf32>
    %squeeze3A = vector.shape_cast %slice3A : vector<1x64x128xf32> to vector<64x128xf32>
    %dot_general3A = arith.constant dense<0.000000e+00> : vector<64x128xf32>
    %dot_general3A_33 = tpu.matmul %get3A_5, %squeeze3A, %dot_general3A {dimension_numbers = #tpu.dot_dimension_numbers<[1], [0], [0], [1], [0, 0, 1, 1], [], []>, precision = #tpu.contract_precision<fp32>, transpose_lhs_hint = false} : vector<64x64xf32>, vector<64x128xf32>, vector<64x128xf32> -> vector<64x128xf32>
    %broadcast_in_dim3A = vector.shape_cast %dot_general3A_33 : vector<64x128xf32> to vector<1x64x128xf32>
    %dot_general3A_34 = arith.constant dense<0.000000e+00> : vector<64x128xf32>
    %dot_general3A_35 = tpu.matmul %get3A_8, %squeeze3A, %dot_general3A_34 {dimension_numbers = #tpu.dot_dimension_numbers<[1], [0], [0], [1], [0, 0, 1, 1], [], []>, precision = #tpu.contract_precision<fp32>, transpose_lhs_hint = false} : vector<64x64xf32>, vector<64x128xf32>, vector<64x128xf32> -> vector<64x128xf32>
    %broadcast_in_dim3A_36 = vector.shape_cast %dot_general3A_35 : vector<64x128xf32> to vector<1x64x128xf32>
    %neg3A = arith.constant 0.000000e+00 : f32
    %neg3A_37 = vector.broadcast %neg3A : f32 to vector<1x64x128xf32>
    %neg3A_38 = arith.subf %neg3A_37, %broadcast_in_dim3A_36 : vector<1x64x128xf32>
    %slice3A_39 = vector.extract_strided_slice %get3A_2 {offsets = [1, 0, 0], sizes = [1, 64, 128], strides = [1, 1, 1]} : vector<32x64x128xf32> to vector<1x64x128xf32>
    %squeeze3A_40 = vector.shape_cast %slice3A_39 : vector<1x64x128xf32> to vector<64x128xf32>
    %dot_general3A_41 = arith.constant dense<0.000000e+00> : vector<64x128xf32>
    %dot_general3A_42 = tpu.matmul %get3A_5, %squeeze3A_40, %dot_general3A_41 {dimension_numbers = #tpu.dot_dimension_numbers<[1], [0], [0], [1], [0, 0, 1, 1], [], []>, precision = #tpu.contract_precision<fp32>, transpose_lhs_hint = false} : vector<64x64xf32>, vector<64x128xf32>, vector<64x128xf32> -> vector<64x128xf32>
    %broadcast_in_dim3A_43 = vector.shape_cast %dot_general3A_42 : vector<64x128xf32> to vector<1x64x128xf32>
    %dot_general3A_44 = arith.constant dense<0.000000e+00> : vector<64x128xf32>
    %dot_general3A_45 = tpu.matmul %get3A_8, %squeeze3A_40, %dot_general3A_44 {dimension_numbers = #tpu.dot_dimension_numbers<[1], [0], [0], [1], [0, 0, 1, 1], [], []>, precision = #tpu.contract_precision<fp32>, transpose_lhs_hint = false} : vector<64x64xf32>, vector<64x128xf32>, vector<64x128xf32> -> vector<64x128xf32>
    %broadcast_in_dim3A_46 = vector.shape_cast %dot_general3A_45 : vector<64x128xf32> to vector<1x64x128xf32>
    %neg3A_47 = arith.constant 0.000000e+00 : f32
    %neg3A_48 = vector.broadcast %neg3A_47 : f32 to vector<1x64x128xf32>
    %neg3A_49 = arith.subf %neg3A_48, %broadcast_in_dim3A_46 : vector<1x64x128xf32>
    %slice3A_50 = vector.extract_strided_slice %get3A_2 {offsets = [2, 0, 0], sizes = [1, 64, 128], strides = [1, 1, 1]} : vector<32x64x128xf32> to vector<1x64x128xf32>
    %squeeze3A_51 = vector.shape_cast %slice3A_50 : vector<1x64x128xf32> to vector<64x128xf32>
    %dot_general3A_52 = arith.constant dense<0.000000e+00> : vector<64x128xf32>
    %dot_general3A_53 = tpu.matmul %get3A_5, %squeeze3A_51, %dot_general3A_52 {dimension_numbers = #tpu.dot_dimension_numbers<[1], [0], [0], [1], [0, 0, 1, 1], [], []>, precision = #tpu.contract_precision<fp32>, transpose_lhs_hint = false} : vector<64x64xf32>, vector<64x128xf32>, vector<64x128xf32> -> vector<64x128xf32>
    %broadcast_in_dim3A_54 = vector.shape_cast %dot_general3A_53 : vector<64x128xf32> to vector<1x64x128xf32>
    %dot_general3A_55 = arith.constant dense<0.000000e+00> : vector<64x128xf32>
    %dot_general3A_56 = tpu.matmul %get3A_8, %squeeze3A_51, %dot_general3A_55 {dimension_numbers = #tpu.dot_dimension_numbers<[1], [0], [0], [1], [0, 0, 1, 1], [], []>, precision = #tpu.contract_precision<fp32>, transpose_lhs_hint = false} : vector<64x64xf32>, vector<64x128xf32>, vector<64x128xf32> -> vector<64x128xf32>
    %broadcast_in_dim3A_57 = vector.shape_cast %dot_general3A_56 : vector<64x128xf32> to vector<1x64x128xf32>
    %neg3A_58 = arith.constant 0.000000e+00 : f32
    %neg3A_59 = vector.broadcast %neg3A_58 : f32 to vector<1x64x128xf32>
    %neg3A_60 = arith.subf %neg3A_59, %broadcast_in_dim3A_57 : vector<1x64x128xf32>
    %slice3A_61 = vector.extract_strided_slice %get3A_2 {offsets = [3, 0, 0], sizes = [1, 64, 128], strides = [1, 1, 1]} : vector<32x64x128xf32> to vector<1x64x128xf32>
    %squeeze3A_62 = vector.shape_cast %slice3A_61 : vector<1x64x128xf32> to vector<64x128xf32>
    %dot_general3A_63 = arith.constant dense<0.000000e+00> : vector<64x128xf32>
    %dot_general3A_64 = tpu.matmul %get3A_5, %squeeze3A_62, %dot_general3A_63 {dimension_numbers = #tpu.dot_dimension_numbers<[1], [0], [0], [1], [0, 0, 1, 1], [], []>, precision = #tpu.contract_precision<fp32>, transpose_lhs_hint = false} : vector<64x64xf32>, vector<64x128xf32>, vector<64x128xf32> -> vector<64x128xf32>
    %broadcast_in_dim3A_65 = vector.shape_cast %dot_general3A_64 : vector<64x128xf32> to vector<1x64x128xf32>
    %dot_general3A_66 = arith.constant dense<0.000000e+00> : vector<64x128xf32>
    %dot_general3A_67 = tpu.matmul %get3A_8, %squeeze3A_62, %dot_general3A_66 {dimension_numbers = #tpu.dot_dimension_numbers<[1], [0], [0], [1], [0, 0, 1, 1], [], []>, precision = #tpu.contract_precision<fp32>, transpose_lhs_hint = false} : vector<64x64xf32>, vector<64x128xf32>, vector<64x128xf32> -> vector<64x128xf32>
    %broadcast_in_dim3A_68 = vector.shape_cast %dot_general3A_67 : vector<64x128xf32> to vector<1x64x128xf32>
    %neg3A_69 = arith.constant 0.000000e+00 : f32
    %neg3A_70 = vector.broadcast %neg3A_69 : f32 to vector<1x64x128xf32>
    %neg3A_71 = arith.subf %neg3A_70, %broadcast_in_dim3A_68 : vector<1x64x128xf32>
    %slice3A_72 = vector.extract_strided_slice %get3A_2 {offsets = [4, 0, 0], sizes = [1, 64, 128], strides = [1, 1, 1]} : vector<32x64x128xf32> to vector<1x64x128xf32>
    %squeeze3A_73 = vector.shape_cast %slice3A_72 : vector<1x64x128xf32> to vector<64x128xf32>
    %dot_general3A_74 = arith.constant dense<0.000000e+00> : vector<64x128xf32>
    %dot_general3A_75 = tpu.matmul %get3A_5, %squeeze3A_73, %dot_general3A_74 {dimension_numbers = #tpu.dot_dimension_numbers<[1], [0], [0], [1], [0, 0, 1, 1], [], []>, precision = #tpu.contract_precision<fp32>, transpose_lhs_hint = false} : vector<64x64xf32>, vector<64x128xf32>, vector<64x128xf32> -> vector<64x128xf32>
    %broadcast_in_dim3A_76 = vector.shape_cast %dot_general3A_75 : vector<64x128xf32> to vector<1x64x128xf32>
    %dot_general3A_77 = arith.constant dense<0.000000e+00> : vector<64x128xf32>
    %dot_general3A_78 = tpu.matmul %get3A_8, %squeeze3A_73, %dot_general3A_77 {dimension_numbers = #tpu.dot_dimension_numbers<[1], [0], [0], [1], [0, 0, 1, 1], [], []>, precision = #tpu.contract_precision<fp32>, transpose_lhs_hint = false} : vector<64x64xf32>, vector<64x128xf32>, vector<64x128xf32> -> vector<64x128xf32>
    %broadcast_in_dim3A_79 = vector.shape_cast %dot_general3A_78 : vector<64x128xf32> to vector<1x64x128xf32>
    %neg3A_80 = arith.constant 0.000000e+00 : f32
    %neg3A_81 = vector.broadcast %neg3A_80 : f32 to vector<1x64x128xf32>
    %neg3A_82 = arith.subf %neg3A_81, %broadcast_in_dim3A_79 : vector<1x64x128xf32>
    %slice3A_83 = vector.extract_strided_slice %get3A_2 {offsets = [5, 0, 0], sizes = [1, 64, 128], strides = [1, 1, 1]} : vector<32x64x128xf32> to vector<1x64x128xf32>
    %squeeze3A_84 = vector.shape_cast %slice3A_83 : vector<1x64x128xf32> to vector<64x128xf32>
    %dot_general3A_85 = arith.constant dense<0.000000e+00> : vector<64x128xf32>
    %dot_general3A_86 = tpu.matmul %get3A_5, %squeeze3A_84, %dot_general3A_85 {dimension_numbers = #tpu.dot_dimension_numbers<[1], [0], [0], [1], [0, 0, 1, 1], [], []>, precision = #tpu.contract_precision<fp32>, transpose_lhs_hint = false} : vector<64x64xf32>, vector<64x128xf32>, vector<64x128xf32> -> vector<64x128xf32>
    %broadcast_in_dim3A_87 = vector.shape_cast %dot_general3A_86 : vector<64x128xf32> to vector<1x64x128xf32>
    %dot_general3A_88 = arith.constant dense<0.000000e+00> : vector<64x128xf32>
    %dot_general3A_89 = tpu.matmul %get3A_8, %squeeze3A_84, %dot_general3A_88 {dimension_numbers = #tpu.dot_dimension_numbers<[1], [0], [0], [1], [0, 0, 1, 1], [], []>, precision = #tpu.contract_precision<fp32>, transpose_lhs_hint = false} : vector<64x64xf32>, vector<64x128xf32>, vector<64x128xf32> -> vector<64x128xf32>
    %broadcast_in_dim3A_90 = vector.shape_cast %dot_general3A_89 : vector<64x128xf32> to vector<1x64x128xf32>
    %neg3A_91 = arith.constant 0.000000e+00 : f32
    %neg3A_92 = vector.broadcast %neg3A_91 : f32 to vector<1x64x128xf32>
    %neg3A_93 = arith.subf %neg3A_92, %broadcast_in_dim3A_90 : vector<1x64x128xf32>
    %slice3A_94 = vector.extract_strided_slice %get3A_2 {offsets = [6, 0, 0], sizes = [1, 64, 128], strides = [1, 1, 1]} : vector<32x64x128xf32> to vector<1x64x128xf32>
    %squeeze3A_95 = vector.shape_cast %slice3A_94 : vector<1x64x128xf32> to vector<64x128xf32>
    %dot_general3A_96 = arith.constant dense<0.000000e+00> : vector<64x128xf32>
    %dot_general3A_97 = tpu.matmul %get3A_5, %squeeze3A_95, %dot_general3A_96 {dimension_numbers = #tpu.dot_dimension_numbers<[1], [0], [0], [1], [0, 0, 1, 1], [], []>, precision = #tpu.contract_precision<fp32>, transpose_lhs_hint = false} : vector<64x64xf32>, vector<64x128xf32>, vector<64x128xf32> -> vector<64x128xf32>
    %broadcast_in_dim3A_98 = vector.shape_cast %dot_general3A_97 : vector<64x128xf32> to vector<1x64x128xf32>
    %dot_general3A_99 = arith.constant dense<0.000000e+00> : vector<64x128xf32>
    %dot_general3A_100 = tpu.matmul %get3A_8, %squeeze3A_95, %dot_general3A_99 {dimension_numbers = #tpu.dot_dimension_numbers<[1], [0], [0], [1], [0, 0, 1, 1], [], []>, precision = #tpu.contract_precision<fp32>, transpose_lhs_hint = false} : vector<64x64xf32>, vector<64x128xf32>, vector<64x128xf32> -> vector<64x128xf32>
    %broadcast_in_dim3A_101 = vector.shape_cast %dot_general3A_100 : vector<64x128xf32> to vector<1x64x128xf32>
    %neg3A_102 = arith.constant 0.000000e+00 : f32
    %neg3A_103 = vector.broadcast %neg3A_102 : f32 to vector<1x64x128xf32>
    %neg3A_104 = arith.subf %neg3A_103, %broadcast_in_dim3A_101 : vector<1x64x128xf32>
    %slice3A_105 = vector.extract_strided_slice %get3A_2 {offsets = [7, 0, 0], sizes = [1, 64, 128], strides = [1, 1, 1]} : vector<32x64x128xf32> to vector<1x64x128xf32>
    %squeeze3A_106 = vector.shape_cast %slice3A_105 : vector<1x64x128xf32> to vector<64x128xf32>
    %dot_general3A_107 = arith.constant dense<0.000000e+00> : vector<64x128xf32>
    %dot_general3A_108 = tpu.matmul %get3A_5, %squeeze3A_106, %dot_general3A_107 {dimension_numbers = #tpu.dot_dimension_numbers<[1], [0], [0], [1], [0, 0, 1, 1], [], []>, precision = #tpu.contract_precision<fp32>, transpose_lhs_hint = false} : vector<64x64xf32>, vector<64x128xf32>, vector<64x128xf32> -> vector<64x128xf32>
    %broadcast_in_dim3A_109 = vector.shape_cast %dot_general3A_108 : vector<64x128xf32> to vector<1x64x128xf32>
    %dot_general3A_110 = arith.constant dense<0.000000e+00> : vector<64x128xf32>
    %dot_general3A_111 = tpu.matmul %get3A_8, %squeeze3A_106, %dot_general3A_110 {dimension_numbers = #tpu.dot_dimension_numbers<[1], [0], [0], [1], [0, 0, 1, 1], [], []>, precision = #tpu.contract_precision<fp32>, transpose_lhs_hint = false} : vector<64x64xf32>, vector<64x128xf32>, vector<64x128xf32> -> vector<64x128xf32>
    %broadcast_in_dim3A_112 = vector.shape_cast %dot_general3A_111 : vector<64x128xf32> to vector<1x64x128xf32>
    %neg3A_113 = arith.constant 0.000000e+00 : f32
    %neg3A_114 = vector.broadcast %neg3A_113 : f32 to vector<1x64x128xf32>
    %neg3A_115 = arith.subf %neg3A_114, %broadcast_in_dim3A_112 : vector<1x64x128xf32>
    %slice3A_116 = vector.extract_strided_slice %get3A_2 {offsets = [8, 0, 0], sizes = [1, 64, 128], strides = [1, 1, 1]} : vector<32x64x128xf32> to vector<1x64x128xf32>
    %squeeze3A_117 = vector.shape_cast %slice3A_116 : vector<1x64x128xf32> to vector<64x128xf32>
    %dot_general3A_118 = arith.constant dense<0.000000e+00> : vector<64x128xf32>
    %dot_general3A_119 = tpu.matmul %get3A_5, %squeeze3A_117, %dot_general3A_118 {dimension_numbers = #tpu.dot_dimension_numbers<[1], [0], [0], [1], [0, 0, 1, 1], [], []>, precision = #tpu.contract_precision<fp32>, transpose_lhs_hint = false} : vector<64x64xf32>, vector<64x128xf32>, vector<64x128xf32> -> vector<64x128xf32>
    %broadcast_in_dim3A_120 = vector.shape_cast %dot_general3A_119 : vector<64x128xf32> to vector<1x64x128xf32>
    %dot_general3A_121 = arith.constant dense<0.000000e+00> : vector<64x128xf32>
    %dot_general3A_122 = tpu.matmul %get3A_8, %squeeze3A_117, %dot_general3A_121 {dimension_numbers = #tpu.dot_dimension_numbers<[1], [0], [0], [1], [0, 0, 1, 1], [], []>, precision = #tpu.contract_precision<fp32>, transpose_lhs_hint = false} : vector<64x64xf32>, vector<64x128xf32>, vector<64x128xf32> -> vector<64x128xf32>
    %broadcast_in_dim3A_123 = vector.shape_cast %dot_general3A_122 : vector<64x128xf32> to vector<1x64x128xf32>
    %neg3A_124 = arith.constant 0.000000e+00 : f32
    %neg3A_125 = vector.broadcast %neg3A_124 : f32 to vector<1x64x128xf32>
    %neg3A_126 = arith.subf %neg3A_125, %broadcast_in_dim3A_123 : vector<1x64x128xf32>
    %slice3A_127 = vector.extract_strided_slice %get3A_2 {offsets = [9, 0, 0], sizes = [1, 64, 128], strides = [1, 1, 1]} : vector<32x64x128xf32> to vector<1x64x128xf32>
    %squeeze3A_128 = vector.shape_cast %slice3A_127 : vector<1x64x128xf32> to vector<64x128xf32>
    %dot_general3A_129 = arith.constant dense<0.000000e+00> : vector<64x128xf32>
    %dot_general3A_130 = tpu.matmul %get3A_5, %squeeze3A_128, %dot_general3A_129 {dimension_numbers = #tpu.dot_dimension_numbers<[1], [0], [0], [1], [0, 0, 1, 1], [], []>, precision = #tpu.contract_precision<fp32>, transpose_lhs_hint = false} : vector<64x64xf32>, vector<64x128xf32>, vector<64x128xf32> -> vector<64x128xf32>
    %broadcast_in_dim3A_131 = vector.shape_cast %dot_general3A_130 : vector<64x128xf32> to vector<1x64x128xf32>
    %dot_general3A_132 = arith.constant dense<0.000000e+00> : vector<64x128xf32>
    %dot_general3A_133 = tpu.matmul %get3A_8, %squeeze3A_128, %dot_general3A_132 {dimension_numbers = #tpu.dot_dimension_numbers<[1], [0], [0], [1], [0, 0, 1, 1], [], []>, precision = #tpu.contract_precision<fp32>, transpose_lhs_hint = false} : vector<64x64xf32>, vector<64x128xf32>, vector<64x128xf32> -> vector<64x128xf32>
    %broadcast_in_dim3A_134 = vector.shape_cast %dot_general3A_133 : vector<64x128xf32> to vector<1x64x128xf32>
    %neg3A_135 = arith.constant 0.000000e+00 : f32
    %neg3A_136 = vector.broadcast %neg3A_135 : f32 to vector<1x64x128xf32>
    %neg3A_137 = arith.subf %neg3A_136, %broadcast_in_dim3A_134 : vector<1x64x128xf32>
    %slice3A_138 = vector.extract_strided_slice %get3A_2 {offsets = [10, 0, 0], sizes = [1, 64, 128], strides = [1, 1, 1]} : vector<32x64x128xf32> to vector<1x64x128xf32>
    %squeeze3A_139 = vector.shape_cast %slice3A_138 : vector<1x64x128xf32> to vector<64x128xf32>
    %dot_general3A_140 = arith.constant dense<0.000000e+00> : vector<64x128xf32>
    %dot_general3A_141 = tpu.matmul %get3A_5, %squeeze3A_139, %dot_general3A_140 {dimension_numbers = #tpu.dot_dimension_numbers<[1], [0], [0], [1], [0, 0, 1, 1], [], []>, precision = #tpu.contract_precision<fp32>, transpose_lhs_hint = false} : vector<64x64xf32>, vector<64x128xf32>, vector<64x128xf32> -> vector<64x128xf32>
    %broadcast_in_dim3A_142 = vector.shape_cast %dot_general3A_141 : vector<64x128xf32> to vector<1x64x128xf32>
    %dot_general3A_143 = arith.constant dense<0.000000e+00> : vector<64x128xf32>
    %dot_general3A_144 = tpu.matmul %get3A_8, %squeeze3A_139, %dot_general3A_143 {dimension_numbers = #tpu.dot_dimension_numbers<[1], [0], [0], [1], [0, 0, 1, 1], [], []>, precision = #tpu.contract_precision<fp32>, transpose_lhs_hint = false} : vector<64x64xf32>, vector<64x128xf32>, vector<64x128xf32> -> vector<64x128xf32>
    %broadcast_in_dim3A_145 = vector.shape_cast %dot_general3A_144 : vector<64x128xf32> to vector<1x64x128xf32>
    %neg3A_146 = arith.constant 0.000000e+00 : f32
    %neg3A_147 = vector.broadcast %neg3A_146 : f32 to vector<1x64x128xf32>
    %neg3A_148 = arith.subf %neg3A_147, %broadcast_in_dim3A_145 : vector<1x64x128xf32>
    %slice3A_149 = vector.extract_strided_slice %get3A_2 {offsets = [11, 0, 0], sizes = [1, 64, 128], strides = [1, 1, 1]} : vector<32x64x128xf32> to vector<1x64x128xf32>
    %squeeze3A_150 = vector.shape_cast %slice3A_149 : vector<1x64x128xf32> to vector<64x128xf32>
    %dot_general3A_151 = arith.constant dense<0.000000e+00> : vector<64x128xf32>
    %dot_general3A_152 = tpu.matmul %get3A_5, %squeeze3A_150, %dot_general3A_151 {dimension_numbers = #tpu.dot_dimension_numbers<[1], [0], [0], [1], [0, 0, 1, 1], [], []>, precision = #tpu.contract_precision<fp32>, transpose_lhs_hint = false} : vector<64x64xf32>, vector<64x128xf32>, vector<64x128xf32> -> vector<64x128xf32>
    %broadcast_in_dim3A_153 = vector.shape_cast %dot_general3A_152 : vector<64x128xf32> to vector<1x64x128xf32>
    %dot_general3A_154 = arith.constant dense<0.000000e+00> : vector<64x128xf32>
    %dot_general3A_155 = tpu.matmul %get3A_8, %squeeze3A_150, %dot_general3A_154 {dimension_numbers = #tpu.dot_dimension_numbers<[1], [0], [0], [1], [0, 0, 1, 1], [], []>, precision = #tpu.contract_precision<fp32>, transpose_lhs_hint = false} : vector<64x64xf32>, vector<64x128xf32>, vector<64x128xf32> -> vector<64x128xf32>
    %broadcast_in_dim3A_156 = vector.shape_cast %dot_general3A_155 : vector<64x128xf32> to vector<1x64x128xf32>
    %neg3A_157 = arith.constant 0.000000e+00 : f32
    %neg3A_158 = vector.broadcast %neg3A_157 : f32 to vector<1x64x128xf32>
    %neg3A_159 = arith.subf %neg3A_158, %broadcast_in_dim3A_156 : vector<1x64x128xf32>
    %slice3A_160 = vector.extract_strided_slice %get3A_2 {offsets = [12, 0, 0], sizes = [1, 64, 128], strides = [1, 1, 1]} : vector<32x64x128xf32> to vector<1x64x128xf32>
    %squeeze3A_161 = vector.shape_cast %slice3A_160 : vector<1x64x128xf32> to vector<64x128xf32>
    %dot_general3A_162 = arith.constant dense<0.000000e+00> : vector<64x128xf32>
    %dot_general3A_163 = tpu.matmul %get3A_5, %squeeze3A_161, %dot_general3A_162 {dimension_numbers = #tpu.dot_dimension_numbers<[1], [0], [0], [1], [0, 0, 1, 1], [], []>, precision = #tpu.contract_precision<fp32>, transpose_lhs_hint = false} : vector<64x64xf32>, vector<64x128xf32>, vector<64x128xf32> -> vector<64x128xf32>
    %broadcast_in_dim3A_164 = vector.shape_cast %dot_general3A_163 : vector<64x128xf32> to vector<1x64x128xf32>
    %dot_general3A_165 = arith.constant dense<0.000000e+00> : vector<64x128xf32>
    %dot_general3A_166 = tpu.matmul %get3A_8, %squeeze3A_161, %dot_general3A_165 {dimension_numbers = #tpu.dot_dimension_numbers<[1], [0], [0], [1], [0, 0, 1, 1], [], []>, precision = #tpu.contract_precision<fp32>, transpose_lhs_hint = false} : vector<64x64xf32>, vector<64x128xf32>, vector<64x128xf32> -> vector<64x128xf32>
    %broadcast_in_dim3A_167 = vector.shape_cast %dot_general3A_166 : vector<64x128xf32> to vector<1x64x128xf32>
    %neg3A_168 = arith.constant 0.000000e+00 : f32
    %neg3A_169 = vector.broadcast %neg3A_168 : f32 to vector<1x64x128xf32>
    %neg3A_170 = arith.subf %neg3A_169, %broadcast_in_dim3A_167 : vector<1x64x128xf32>
    %slice3A_171 = vector.extract_strided_slice %get3A_2 {offsets = [13, 0, 0], sizes = [1, 64, 128], strides = [1, 1, 1]} : vector<32x64x128xf32> to vector<1x64x128xf32>
    %squeeze3A_172 = vector.shape_cast %slice3A_171 : vector<1x64x128xf32> to vector<64x128xf32>
    %dot_general3A_173 = arith.constant dense<0.000000e+00> : vector<64x128xf32>
    %dot_general3A_174 = tpu.matmul %get3A_5, %squeeze3A_172, %dot_general3A_173 {dimension_numbers = #tpu.dot_dimension_numbers<[1], [0], [0], [1], [0, 0, 1, 1], [], []>, precision = #tpu.contract_precision<fp32>, transpose_lhs_hint = false} : vector<64x64xf32>, vector<64x128xf32>, vector<64x128xf32> -> vector<64x128xf32>
    %broadcast_in_dim3A_175 = vector.shape_cast %dot_general3A_174 : vector<64x128xf32> to vector<1x64x128xf32>
    %dot_general3A_176 = arith.constant dense<0.000000e+00> : vector<64x128xf32>
    %dot_general3A_177 = tpu.matmul %get3A_8, %squeeze3A_172, %dot_general3A_176 {dimension_numbers = #tpu.dot_dimension_numbers<[1], [0], [0], [1], [0, 0, 1, 1], [], []>, precision = #tpu.contract_precision<fp32>, transpose_lhs_hint = false} : vector<64x64xf32>, vector<64x128xf32>, vector<64x128xf32> -> vector<64x128xf32>
    %broadcast_in_dim3A_178 = vector.shape_cast %dot_general3A_177 : vector<64x128xf32> to vector<1x64x128xf32>
    %neg3A_179 = arith.constant 0.000000e+00 : f32
    %neg3A_180 = vector.broadcast %neg3A_179 : f32 to vector<1x64x128xf32>
    %neg3A_181 = arith.subf %neg3A_180, %broadcast_in_dim3A_178 : vector<1x64x128xf32>
    %slice3A_182 = vector.extract_strided_slice %get3A_2 {offsets = [14, 0, 0], sizes = [1, 64, 128], strides = [1, 1, 1]} : vector<32x64x128xf32> to vector<1x64x128xf32>
    %squeeze3A_183 = vector.shape_cast %slice3A_182 : vector<1x64x128xf32> to vector<64x128xf32>
    %dot_general3A_184 = arith.constant dense<0.000000e+00> : vector<64x128xf32>
    %dot_general3A_185 = tpu.matmul %get3A_5, %squeeze3A_183, %dot_general3A_184 {dimension_numbers = #tpu.dot_dimension_numbers<[1], [0], [0], [1], [0, 0, 1, 1], [], []>, precision = #tpu.contract_precision<fp32>, transpose_lhs_hint = false} : vector<64x64xf32>, vector<64x128xf32>, vector<64x128xf32> -> vector<64x128xf32>
    %broadcast_in_dim3A_186 = vector.shape_cast %dot_general3A_185 : vector<64x128xf32> to vector<1x64x128xf32>
    %dot_general3A_187 = arith.constant dense<0.000000e+00> : vector<64x128xf32>
    %dot_general3A_188 = tpu.matmul %get3A_8, %squeeze3A_183, %dot_general3A_187 {dimension_numbers = #tpu.dot_dimension_numbers<[1], [0], [0], [1], [0, 0, 1, 1], [], []>, precision = #tpu.contract_precision<fp32>, transpose_lhs_hint = false} : vector<64x64xf32>, vector<64x128xf32>, vector<64x128xf32> -> vector<64x128xf32>
    %broadcast_in_dim3A_189 = vector.shape_cast %dot_general3A_188 : vector<64x128xf32> to vector<1x64x128xf32>
    %neg3A_190 = arith.constant 0.000000e+00 : f32
    %neg3A_191 = vector.broadcast %neg3A_190 : f32 to vector<1x64x128xf32>
    %neg3A_192 = arith.subf %neg3A_191, %broadcast_in_dim3A_189 : vector<1x64x128xf32>
    %slice3A_193 = vector.extract_strided_slice %get3A_2 {offsets = [15, 0, 0], sizes = [1, 64, 128], strides = [1, 1, 1]} : vector<32x64x128xf32> to vector<1x64x128xf32>
    %squeeze3A_194 = vector.shape_cast %slice3A_193 : vector<1x64x128xf32> to vector<64x128xf32>
    %dot_general3A_195 = arith.constant dense<0.000000e+00> : vector<64x128xf32>
    %dot_general3A_196 = tpu.matmul %get3A_5, %squeeze3A_194, %dot_general3A_195 {dimension_numbers = #tpu.dot_dimension_numbers<[1], [0], [0], [1], [0, 0, 1, 1], [], []>, precision = #tpu.contract_precision<fp32>, transpose_lhs_hint = false} : vector<64x64xf32>, vector<64x128xf32>, vector<64x128xf32> -> vector<64x128xf32>
    %broadcast_in_dim3A_197 = vector.shape_cast %dot_general3A_196 : vector<64x128xf32> to vector<1x64x128xf32>
    %dot_general3A_198 = arith.constant dense<0.000000e+00> : vector<64x128xf32>
    %dot_general3A_199 = tpu.matmul %get3A_8, %squeeze3A_194, %dot_general3A_198 {dimension_numbers = #tpu.dot_dimension_numbers<[1], [0], [0], [1], [0, 0, 1, 1], [], []>, precision = #tpu.contract_precision<fp32>, transpose_lhs_hint = false} : vector<64x64xf32>, vector<64x128xf32>, vector<64x128xf32> -> vector<64x128xf32>
    %broadcast_in_dim3A_200 = vector.shape_cast %dot_general3A_199 : vector<64x128xf32> to vector<1x64x128xf32>
    %neg3A_201 = arith.constant 0.000000e+00 : f32
    %neg3A_202 = vector.broadcast %neg3A_201 : f32 to vector<1x64x128xf32>
    %neg3A_203 = arith.subf %neg3A_202, %broadcast_in_dim3A_200 : vector<1x64x128xf32>
    %slice3A_204 = vector.extract_strided_slice %get3A_2 {offsets = [16, 0, 0], sizes = [1, 64, 128], strides = [1, 1, 1]} : vector<32x64x128xf32> to vector<1x64x128xf32>
    %squeeze3A_205 = vector.shape_cast %slice3A_204 : vector<1x64x128xf32> to vector<64x128xf32>
    %dot_general3A_206 = arith.constant dense<0.000000e+00> : vector<64x128xf32>
    %dot_general3A_207 = tpu.matmul %get3A_5, %squeeze3A_205, %dot_general3A_206 {dimension_numbers = #tpu.dot_dimension_numbers<[1], [0], [0], [1], [0, 0, 1, 1], [], []>, precision = #tpu.contract_precision<fp32>, transpose_lhs_hint = false} : vector<64x64xf32>, vector<64x128xf32>, vector<64x128xf32> -> vector<64x128xf32>
    %broadcast_in_dim3A_208 = vector.shape_cast %dot_general3A_207 : vector<64x128xf32> to vector<1x64x128xf32>
    %dot_general3A_209 = arith.constant dense<0.000000e+00> : vector<64x128xf32>
    %dot_general3A_210 = tpu.matmul %get3A_8, %squeeze3A_205, %dot_general3A_209 {dimension_numbers = #tpu.dot_dimension_numbers<[1], [0], [0], [1], [0, 0, 1, 1], [], []>, precision = #tpu.contract_precision<fp32>, transpose_lhs_hint = false} : vector<64x64xf32>, vector<64x128xf32>, vector<64x128xf32> -> vector<64x128xf32>
    %broadcast_in_dim3A_211 = vector.shape_cast %dot_general3A_210 : vector<64x128xf32> to vector<1x64x128xf32>
    %neg3A_212 = arith.constant 0.000000e+00 : f32
    %neg3A_213 = vector.broadcast %neg3A_212 : f32 to vector<1x64x128xf32>
    %neg3A_214 = arith.subf %neg3A_213, %broadcast_in_dim3A_211 : vector<1x64x128xf32>
    %slice3A_215 = vector.extract_strided_slice %get3A_2 {offsets = [17, 0, 0], sizes = [1, 64, 128], strides = [1, 1, 1]} : vector<32x64x128xf32> to vector<1x64x128xf32>
    %squeeze3A_216 = vector.shape_cast %slice3A_215 : vector<1x64x128xf32> to vector<64x128xf32>
    %dot_general3A_217 = arith.constant dense<0.000000e+00> : vector<64x128xf32>
    %dot_general3A_218 = tpu.matmul %get3A_5, %squeeze3A_216, %dot_general3A_217 {dimension_numbers = #tpu.dot_dimension_numbers<[1], [0], [0], [1], [0, 0, 1, 1], [], []>, precision = #tpu.contract_precision<fp32>, transpose_lhs_hint = false} : vector<64x64xf32>, vector<64x128xf32>, vector<64x128xf32> -> vector<64x128xf32>
    %broadcast_in_dim3A_219 = vector.shape_cast %dot_general3A_218 : vector<64x128xf32> to vector<1x64x128xf32>
    %dot_general3A_220 = arith.constant dense<0.000000e+00> : vector<64x128xf32>
    %dot_general3A_221 = tpu.matmul %get3A_8, %squeeze3A_216, %dot_general3A_220 {dimension_numbers = #tpu.dot_dimension_numbers<[1], [0], [0], [1], [0, 0, 1, 1], [], []>, precision = #tpu.contract_precision<fp32>, transpose_lhs_hint = false} : vector<64x64xf32>, vector<64x128xf32>, vector<64x128xf32> -> vector<64x128xf32>
    %broadcast_in_dim3A_222 = vector.shape_cast %dot_general3A_221 : vector<64x128xf32> to vector<1x64x128xf32>
    %neg3A_223 = arith.constant 0.000000e+00 : f32
    %neg3A_224 = vector.broadcast %neg3A_223 : f32 to vector<1x64x128xf32>
    %neg3A_225 = arith.subf %neg3A_224, %broadcast_in_dim3A_222 : vector<1x64x128xf32>
    %slice3A_226 = vector.extract_strided_slice %get3A_2 {offsets = [18, 0, 0], sizes = [1, 64, 128], strides = [1, 1, 1]} : vector<32x64x128xf32> to vector<1x64x128xf32>
    %squeeze3A_227 = vector.shape_cast %slice3A_226 : vector<1x64x128xf32> to vector<64x128xf32>
    %dot_general3A_228 = arith.constant dense<0.000000e+00> : vector<64x128xf32>
    %dot_general3A_229 = tpu.matmul %get3A_5, %squeeze3A_227, %dot_general3A_228 {dimension_numbers = #tpu.dot_dimension_numbers<[1], [0], [0], [1], [0, 0, 1, 1], [], []>, precision = #tpu.contract_precision<fp32>, transpose_lhs_hint = false} : vector<64x64xf32>, vector<64x128xf32>, vector<64x128xf32> -> vector<64x128xf32>
    %broadcast_in_dim3A_230 = vector.shape_cast %dot_general3A_229 : vector<64x128xf32> to vector<1x64x128xf32>
    %dot_general3A_231 = arith.constant dense<0.000000e+00> : vector<64x128xf32>
    %dot_general3A_232 = tpu.matmul %get3A_8, %squeeze3A_227, %dot_general3A_231 {dimension_numbers = #tpu.dot_dimension_numbers<[1], [0], [0], [1], [0, 0, 1, 1], [], []>, precision = #tpu.contract_precision<fp32>, transpose_lhs_hint = false} : vector<64x64xf32>, vector<64x128xf32>, vector<64x128xf32> -> vector<64x128xf32>
    %broadcast_in_dim3A_233 = vector.shape_cast %dot_general3A_232 : vector<64x128xf32> to vector<1x64x128xf32>
    %neg3A_234 = arith.constant 0.000000e+00 : f32
    %neg3A_235 = vector.broadcast %neg3A_234 : f32 to vector<1x64x128xf32>
    %neg3A_236 = arith.subf %neg3A_235, %broadcast_in_dim3A_233 : vector<1x64x128xf32>
    %slice3A_237 = vector.extract_strided_slice %get3A_2 {offsets = [19, 0, 0], sizes = [1, 64, 128], strides = [1, 1, 1]} : vector<32x64x128xf32> to vector<1x64x128xf32>
    %squeeze3A_238 = vector.shape_cast %slice3A_237 : vector<1x64x128xf32> to vector<64x128xf32>
    %dot_general3A_239 = arith.constant dense<0.000000e+00> : vector<64x128xf32>
    %dot_general3A_240 = tpu.matmul %get3A_5, %squeeze3A_238, %dot_general3A_239 {dimension_numbers = #tpu.dot_dimension_numbers<[1], [0], [0], [1], [0, 0, 1, 1], [], []>, precision = #tpu.contract_precision<fp32>, transpose_lhs_hint = false} : vector<64x64xf32>, vector<64x128xf32>, vector<64x128xf32> -> vector<64x128xf32>
    %broadcast_in_dim3A_241 = vector.shape_cast %dot_general3A_240 : vector<64x128xf32> to vector<1x64x128xf32>
    %dot_general3A_242 = arith.constant dense<0.000000e+00> : vector<64x128xf32>
    %dot_general3A_243 = tpu.matmul %get3A_8, %squeeze3A_238, %dot_general3A_242 {dimension_numbers = #tpu.dot_dimension_numbers<[1], [0], [0], [1], [0, 0, 1, 1], [], []>, precision = #tpu.contract_precision<fp32>, transpose_lhs_hint = false} : vector<64x64xf32>, vector<64x128xf32>, vector<64x128xf32> -> vector<64x128xf32>
    %broadcast_in_dim3A_244 = vector.shape_cast %dot_general3A_243 : vector<64x128xf32> to vector<1x64x128xf32>
    %neg3A_245 = arith.constant 0.000000e+00 : f32
    %neg3A_246 = vector.broadcast %neg3A_245 : f32 to vector<1x64x128xf32>
    %neg3A_247 = arith.subf %neg3A_246, %broadcast_in_dim3A_244 : vector<1x64x128xf32>
    %slice3A_248 = vector.extract_strided_slice %get3A_2 {offsets = [20, 0, 0], sizes = [1, 64, 128], strides = [1, 1, 1]} : vector<32x64x128xf32> to vector<1x64x128xf32>
    %squeeze3A_249 = vector.shape_cast %slice3A_248 : vector<1x64x128xf32> to vector<64x128xf32>
    %dot_general3A_250 = arith.constant dense<0.000000e+00> : vector<64x128xf32>
    %dot_general3A_251 = tpu.matmul %get3A_5, %squeeze3A_249, %dot_general3A_250 {dimension_numbers = #tpu.dot_dimension_numbers<[1], [0], [0], [1], [0, 0, 1, 1], [], []>, precision = #tpu.contract_precision<fp32>, transpose_lhs_hint = false} : vector<64x64xf32>, vector<64x128xf32>, vector<64x128xf32> -> vector<64x128xf32>
    %broadcast_in_dim3A_252 = vector.shape_cast %dot_general3A_251 : vector<64x128xf32> to vector<1x64x128xf32>
    %dot_general3A_253 = arith.constant dense<0.000000e+00> : vector<64x128xf32>
    %dot_general3A_254 = tpu.matmul %get3A_8, %squeeze3A_249, %dot_general3A_253 {dimension_numbers = #tpu.dot_dimension_numbers<[1], [0], [0], [1], [0, 0, 1, 1], [], []>, precision = #tpu.contract_precision<fp32>, transpose_lhs_hint = false} : vector<64x64xf32>, vector<64x128xf32>, vector<64x128xf32> -> vector<64x128xf32>
    %broadcast_in_dim3A_255 = vector.shape_cast %dot_general3A_254 : vector<64x128xf32> to vector<1x64x128xf32>
    %neg3A_256 = arith.constant 0.000000e+00 : f32
    %neg3A_257 = vector.broadcast %neg3A_256 : f32 to vector<1x64x128xf32>
    %neg3A_258 = arith.subf %neg3A_257, %broadcast_in_dim3A_255 : vector<1x64x128xf32>
    %slice3A_259 = vector.extract_strided_slice %get3A_2 {offsets = [21, 0, 0], sizes = [1, 64, 128], strides = [1, 1, 1]} : vector<32x64x128xf32> to vector<1x64x128xf32>
    %squeeze3A_260 = vector.shape_cast %slice3A_259 : vector<1x64x128xf32> to vector<64x128xf32>
    %dot_general3A_261 = arith.constant dense<0.000000e+00> : vector<64x128xf32>
    %dot_general3A_262 = tpu.matmul %get3A_5, %squeeze3A_260, %dot_general3A_261 {dimension_numbers = #tpu.dot_dimension_numbers<[1], [0], [0], [1], [0, 0, 1, 1], [], []>, precision = #tpu.contract_precision<fp32>, transpose_lhs_hint = false} : vector<64x64xf32>, vector<64x128xf32>, vector<64x128xf32> -> vector<64x128xf32>
    %broadcast_in_dim3A_263 = vector.shape_cast %dot_general3A_262 : vector<64x128xf32> to vector<1x64x128xf32>
    %dot_general3A_264 = arith.constant dense<0.000000e+00> : vector<64x128xf32>
    %dot_general3A_265 = tpu.matmul %get3A_8, %squeeze3A_260, %dot_general3A_264 {dimension_numbers = #tpu.dot_dimension_numbers<[1], [0], [0], [1], [0, 0, 1, 1], [], []>, precision = #tpu.contract_precision<fp32>, transpose_lhs_hint = false} : vector<64x64xf32>, vector<64x128xf32>, vector<64x128xf32> -> vector<64x128xf32>
    %broadcast_in_dim3A_266 = vector.shape_cast %dot_general3A_265 : vector<64x128xf32> to vector<1x64x128xf32>
    %neg3A_267 = arith.constant 0.000000e+00 : f32
    %neg3A_268 = vector.broadcast %neg3A_267 : f32 to vector<1x64x128xf32>
    %neg3A_269 = arith.subf %neg3A_268, %broadcast_in_dim3A_266 : vector<1x64x128xf32>
    %slice3A_270 = vector.extract_strided_slice %get3A_2 {offsets = [22, 0, 0], sizes = [1, 64, 128], strides = [1, 1, 1]} : vector<32x64x128xf32> to vector<1x64x128xf32>
    %squeeze3A_271 = vector.shape_cast %slice3A_270 : vector<1x64x128xf32> to vector<64x128xf32>
    %dot_general3A_272 = arith.constant dense<0.000000e+00> : vector<64x128xf32>
    %dot_general3A_273 = tpu.matmul %get3A_5, %squeeze3A_271, %dot_general3A_272 {dimension_numbers = #tpu.dot_dimension_numbers<[1], [0], [0], [1], [0, 0, 1, 1], [], []>, precision = #tpu.contract_precision<fp32>, transpose_lhs_hint = false} : vector<64x64xf32>, vector<64x128xf32>, vector<64x128xf32> -> vector<64x128xf32>
    %broadcast_in_dim3A_274 = vector.shape_cast %dot_general3A_273 : vector<64x128xf32> to vector<1x64x128xf32>
    %dot_general3A_275 = arith.constant dense<0.000000e+00> : vector<64x128xf32>
    %dot_general3A_276 = tpu.matmul %get3A_8, %squeeze3A_271, %dot_general3A_275 {dimension_numbers = #tpu.dot_dimension_numbers<[1], [0], [0], [1], [0, 0, 1, 1], [], []>, precision = #tpu.contract_precision<fp32>, transpose_lhs_hint = false} : vector<64x64xf32>, vector<64x128xf32>, vector<64x128xf32> -> vector<64x128xf32>
    %broadcast_in_dim3A_277 = vector.shape_cast %dot_general3A_276 : vector<64x128xf32> to vector<1x64x128xf32>
    %neg3A_278 = arith.constant 0.000000e+00 : f32
    %neg3A_279 = vector.broadcast %neg3A_278 : f32 to vector<1x64x128xf32>
    %neg3A_280 = arith.subf %neg3A_279, %broadcast_in_dim3A_277 : vector<1x64x128xf32>
    %slice3A_281 = vector.extract_strided_slice %get3A_2 {offsets = [23, 0, 0], sizes = [1, 64, 128], strides = [1, 1, 1]} : vector<32x64x128xf32> to vector<1x64x128xf32>
    %squeeze3A_282 = vector.shape_cast %slice3A_281 : vector<1x64x128xf32> to vector<64x128xf32>
    %dot_general3A_283 = arith.constant dense<0.000000e+00> : vector<64x128xf32>
    %dot_general3A_284 = tpu.matmul %get3A_5, %squeeze3A_282, %dot_general3A_283 {dimension_numbers = #tpu.dot_dimension_numbers<[1], [0], [0], [1], [0, 0, 1, 1], [], []>, precision = #tpu.contract_precision<fp32>, transpose_lhs_hint = false} : vector<64x64xf32>, vector<64x128xf32>, vector<64x128xf32> -> vector<64x128xf32>
    %broadcast_in_dim3A_285 = vector.shape_cast %dot_general3A_284 : vector<64x128xf32> to vector<1x64x128xf32>
    %dot_general3A_286 = arith.constant dense<0.000000e+00> : vector<64x128xf32>
    %dot_general3A_287 = tpu.matmul %get3A_8, %squeeze3A_282, %dot_general3A_286 {dimension_numbers = #tpu.dot_dimension_numbers<[1], [0], [0], [1], [0, 0, 1, 1], [], []>, precision = #tpu.contract_precision<fp32>, transpose_lhs_hint = false} : vector<64x64xf32>, vector<64x128xf32>, vector<64x128xf32> -> vector<64x128xf32>
    %broadcast_in_dim3A_288 = vector.shape_cast %dot_general3A_287 : vector<64x128xf32> to vector<1x64x128xf32>
    %neg3A_289 = arith.constant 0.000000e+00 : f32
    %neg3A_290 = vector.broadcast %neg3A_289 : f32 to vector<1x64x128xf32>
    %neg3A_291 = arith.subf %neg3A_290, %broadcast_in_dim3A_288 : vector<1x64x128xf32>
    %slice3A_292 = vector.extract_strided_slice %get3A_2 {offsets = [24, 0, 0], sizes = [1, 64, 128], strides = [1, 1, 1]} : vector<32x64x128xf32> to vector<1x64x128xf32>
    %squeeze3A_293 = vector.shape_cast %slice3A_292 : vector<1x64x128xf32> to vector<64x128xf32>
    %dot_general3A_294 = arith.constant dense<0.000000e+00> : vector<64x128xf32>
    %dot_general3A_295 = tpu.matmul %get3A_5, %squeeze3A_293, %dot_general3A_294 {dimension_numbers = #tpu.dot_dimension_numbers<[1], [0], [0], [1], [0, 0, 1, 1], [], []>, precision = #tpu.contract_precision<fp32>, transpose_lhs_hint = false} : vector<64x64xf32>, vector<64x128xf32>, vector<64x128xf32> -> vector<64x128xf32>
    %broadcast_in_dim3A_296 = vector.shape_cast %dot_general3A_295 : vector<64x128xf32> to vector<1x64x128xf32>
    %dot_general3A_297 = arith.constant dense<0.000000e+00> : vector<64x128xf32>
    %dot_general3A_298 = tpu.matmul %get3A_8, %squeeze3A_293, %dot_general3A_297 {dimension_numbers = #tpu.dot_dimension_numbers<[1], [0], [0], [1], [0, 0, 1, 1], [], []>, precision = #tpu.contract_precision<fp32>, transpose_lhs_hint = false} : vector<64x64xf32>, vector<64x128xf32>, vector<64x128xf32> -> vector<64x128xf32>
    %broadcast_in_dim3A_299 = vector.shape_cast %dot_general3A_298 : vector<64x128xf32> to vector<1x64x128xf32>
    %neg3A_300 = arith.constant 0.000000e+00 : f32
    %neg3A_301 = vector.broadcast %neg3A_300 : f32 to vector<1x64x128xf32>
    %neg3A_302 = arith.subf %neg3A_301, %broadcast_in_dim3A_299 : vector<1x64x128xf32>
    %slice3A_303 = vector.extract_strided_slice %get3A_2 {offsets = [25, 0, 0], sizes = [1, 64, 128], strides = [1, 1, 1]} : vector<32x64x128xf32> to vector<1x64x128xf32>
    %squeeze3A_304 = vector.shape_cast %slice3A_303 : vector<1x64x128xf32> to vector<64x128xf32>
    %dot_general3A_305 = arith.constant dense<0.000000e+00> : vector<64x128xf32>
    %dot_general3A_306 = tpu.matmul %get3A_5, %squeeze3A_304, %dot_general3A_305 {dimension_numbers = #tpu.dot_dimension_numbers<[1], [0], [0], [1], [0, 0, 1, 1], [], []>, precision = #tpu.contract_precision<fp32>, transpose_lhs_hint = false} : vector<64x64xf32>, vector<64x128xf32>, vector<64x128xf32> -> vector<64x128xf32>
    %broadcast_in_dim3A_307 = vector.shape_cast %dot_general3A_306 : vector<64x128xf32> to vector<1x64x128xf32>
    %dot_general3A_308 = arith.constant dense<0.000000e+00> : vector<64x128xf32>
    %dot_general3A_309 = tpu.matmul %get3A_8, %squeeze3A_304, %dot_general3A_308 {dimension_numbers = #tpu.dot_dimension_numbers<[1], [0], [0], [1], [0, 0, 1, 1], [], []>, precision = #tpu.contract_precision<fp32>, transpose_lhs_hint = false} : vector<64x64xf32>, vector<64x128xf32>, vector<64x128xf32> -> vector<64x128xf32>
    %broadcast_in_dim3A_310 = vector.shape_cast %dot_general3A_309 : vector<64x128xf32> to vector<1x64x128xf32>
    %neg3A_311 = arith.constant 0.000000e+00 : f32
    %neg3A_312 = vector.broadcast %neg3A_311 : f32 to vector<1x64x128xf32>
    %neg3A_313 = arith.subf %neg3A_312, %broadcast_in_dim3A_310 : vector<1x64x128xf32>
    %slice3A_314 = vector.extract_strided_slice %get3A_2 {offsets = [26, 0, 0], sizes = [1, 64, 128], strides = [1, 1, 1]} : vector<32x64x128xf32> to vector<1x64x128xf32>
    %squeeze3A_315 = vector.shape_cast %slice3A_314 : vector<1x64x128xf32> to vector<64x128xf32>
    %dot_general3A_316 = arith.constant dense<0.000000e+00> : vector<64x128xf32>
    %dot_general3A_317 = tpu.matmul %get3A_5, %squeeze3A_315, %dot_general3A_316 {dimension_numbers = #tpu.dot_dimension_numbers<[1], [0], [0], [1], [0, 0, 1, 1], [], []>, precision = #tpu.contract_precision<fp32>, transpose_lhs_hint = false} : vector<64x64xf32>, vector<64x128xf32>, vector<64x128xf32> -> vector<64x128xf32>
    %broadcast_in_dim3A_318 = vector.shape_cast %dot_general3A_317 : vector<64x128xf32> to vector<1x64x128xf32>
    %dot_general3A_319 = arith.constant dense<0.000000e+00> : vector<64x128xf32>
    %dot_general3A_320 = tpu.matmul %get3A_8, %squeeze3A_315, %dot_general3A_319 {dimension_numbers = #tpu.dot_dimension_numbers<[1], [0], [0], [1], [0, 0, 1, 1], [], []>, precision = #tpu.contract_precision<fp32>, transpose_lhs_hint = false} : vector<64x64xf32>, vector<64x128xf32>, vector<64x128xf32> -> vector<64x128xf32>
    %broadcast_in_dim3A_321 = vector.shape_cast %dot_general3A_320 : vector<64x128xf32> to vector<1x64x128xf32>
    %neg3A_322 = arith.constant 0.000000e+00 : f32
    %neg3A_323 = vector.broadcast %neg3A_322 : f32 to vector<1x64x128xf32>
    %neg3A_324 = arith.subf %neg3A_323, %broadcast_in_dim3A_321 : vector<1x64x128xf32>
    %slice3A_325 = vector.extract_strided_slice %get3A_2 {offsets = [27, 0, 0], sizes = [1, 64, 128], strides = [1, 1, 1]} : vector<32x64x128xf32> to vector<1x64x128xf32>
    %squeeze3A_326 = vector.shape_cast %slice3A_325 : vector<1x64x128xf32> to vector<64x128xf32>
    %dot_general3A_327 = arith.constant dense<0.000000e+00> : vector<64x128xf32>
    %dot_general3A_328 = tpu.matmul %get3A_5, %squeeze3A_326, %dot_general3A_327 {dimension_numbers = #tpu.dot_dimension_numbers<[1], [0], [0], [1], [0, 0, 1, 1], [], []>, precision = #tpu.contract_precision<fp32>, transpose_lhs_hint = false} : vector<64x64xf32>, vector<64x128xf32>, vector<64x128xf32> -> vector<64x128xf32>
    %broadcast_in_dim3A_329 = vector.shape_cast %dot_general3A_328 : vector<64x128xf32> to vector<1x64x128xf32>
    %dot_general3A_330 = arith.constant dense<0.000000e+00> : vector<64x128xf32>
    %dot_general3A_331 = tpu.matmul %get3A_8, %squeeze3A_326, %dot_general3A_330 {dimension_numbers = #tpu.dot_dimension_numbers<[1], [0], [0], [1], [0, 0, 1, 1], [], []>, precision = #tpu.contract_precision<fp32>, transpose_lhs_hint = false} : vector<64x64xf32>, vector<64x128xf32>, vector<64x128xf32> -> vector<64x128xf32>
    %broadcast_in_dim3A_332 = vector.shape_cast %dot_general3A_331 : vector<64x128xf32> to vector<1x64x128xf32>
    %neg3A_333 = arith.constant 0.000000e+00 : f32
    %neg3A_334 = vector.broadcast %neg3A_333 : f32 to vector<1x64x128xf32>
    %neg3A_335 = arith.subf %neg3A_334, %broadcast_in_dim3A_332 : vector<1x64x128xf32>
    %slice3A_336 = vector.extract_strided_slice %get3A_2 {offsets = [28, 0, 0], sizes = [1, 64, 128], strides = [1, 1, 1]} : vector<32x64x128xf32> to vector<1x64x128xf32>
    %squeeze3A_337 = vector.shape_cast %slice3A_336 : vector<1x64x128xf32> to vector<64x128xf32>
    %dot_general3A_338 = arith.constant dense<0.000000e+00> : vector<64x128xf32>
    %dot_general3A_339 = tpu.matmul %get3A_5, %squeeze3A_337, %dot_general3A_338 {dimension_numbers = #tpu.dot_dimension_numbers<[1], [0], [0], [1], [0, 0, 1, 1], [], []>, precision = #tpu.contract_precision<fp32>, transpose_lhs_hint = false} : vector<64x64xf32>, vector<64x128xf32>, vector<64x128xf32> -> vector<64x128xf32>
    %broadcast_in_dim3A_340 = vector.shape_cast %dot_general3A_339 : vector<64x128xf32> to vector<1x64x128xf32>
    %dot_general3A_341 = arith.constant dense<0.000000e+00> : vector<64x128xf32>
    %dot_general3A_342 = tpu.matmul %get3A_8, %squeeze3A_337, %dot_general3A_341 {dimension_numbers = #tpu.dot_dimension_numbers<[1], [0], [0], [1], [0, 0, 1, 1], [], []>, precision = #tpu.contract_precision<fp32>, transpose_lhs_hint = false} : vector<64x64xf32>, vector<64x128xf32>, vector<64x128xf32> -> vector<64x128xf32>
    %broadcast_in_dim3A_343 = vector.shape_cast %dot_general3A_342 : vector<64x128xf32> to vector<1x64x128xf32>
    %neg3A_344 = arith.constant 0.000000e+00 : f32
    %neg3A_345 = vector.broadcast %neg3A_344 : f32 to vector<1x64x128xf32>
    %neg3A_346 = arith.subf %neg3A_345, %broadcast_in_dim3A_343 : vector<1x64x128xf32>
    %slice3A_347 = vector.extract_strided_slice %get3A_2 {offsets = [29, 0, 0], sizes = [1, 64, 128], strides = [1, 1, 1]} : vector<32x64x128xf32> to vector<1x64x128xf32>
    %squeeze3A_348 = vector.shape_cast %slice3A_347 : vector<1x64x128xf32> to vector<64x128xf32>
    %dot_general3A_349 = arith.constant dense<0.000000e+00> : vector<64x128xf32>
    %dot_general3A_350 = tpu.matmul %get3A_5, %squeeze3A_348, %dot_general3A_349 {dimension_numbers = #tpu.dot_dimension_numbers<[1], [0], [0], [1], [0, 0, 1, 1], [], []>, precision = #tpu.contract_precision<fp32>, transpose_lhs_hint = false} : vector<64x64xf32>, vector<64x128xf32>, vector<64x128xf32> -> vector<64x128xf32>
    %broadcast_in_dim3A_351 = vector.shape_cast %dot_general3A_350 : vector<64x128xf32> to vector<1x64x128xf32>
    %dot_general3A_352 = arith.constant dense<0.000000e+00> : vector<64x128xf32>
    %dot_general3A_353 = tpu.matmul %get3A_8, %squeeze3A_348, %dot_general3A_352 {dimension_numbers = #tpu.dot_dimension_numbers<[1], [0], [0], [1], [0, 0, 1, 1], [], []>, precision = #tpu.contract_precision<fp32>, transpose_lhs_hint = false} : vector<64x64xf32>, vector<64x128xf32>, vector<64x128xf32> -> vector<64x128xf32>
    %broadcast_in_dim3A_354 = vector.shape_cast %dot_general3A_353 : vector<64x128xf32> to vector<1x64x128xf32>
    %neg3A_355 = arith.constant 0.000000e+00 : f32
    %neg3A_356 = vector.broadcast %neg3A_355 : f32 to vector<1x64x128xf32>
    %neg3A_357 = arith.subf %neg3A_356, %broadcast_in_dim3A_354 : vector<1x64x128xf32>
    %slice3A_358 = vector.extract_strided_slice %get3A_2 {offsets = [30, 0, 0], sizes = [1, 64, 128], strides = [1, 1, 1]} : vector<32x64x128xf32> to vector<1x64x128xf32>
    %squeeze3A_359 = vector.shape_cast %slice3A_358 : vector<1x64x128xf32> to vector<64x128xf32>
    %dot_general3A_360 = arith.constant dense<0.000000e+00> : vector<64x128xf32>
    %dot_general3A_361 = tpu.matmul %get3A_5, %squeeze3A_359, %dot_general3A_360 {dimension_numbers = #tpu.dot_dimension_numbers<[1], [0], [0], [1], [0, 0, 1, 1], [], []>, precision = #tpu.contract_precision<fp32>, transpose_lhs_hint = false} : vector<64x64xf32>, vector<64x128xf32>, vector<64x128xf32> -> vector<64x128xf32>
    %broadcast_in_dim3A_362 = vector.shape_cast %dot_general3A_361 : vector<64x128xf32> to vector<1x64x128xf32>
    %dot_general3A_363 = arith.constant dense<0.000000e+00> : vector<64x128xf32>
    %dot_general3A_364 = tpu.matmul %get3A_8, %squeeze3A_359, %dot_general3A_363 {dimension_numbers = #tpu.dot_dimension_numbers<[1], [0], [0], [1], [0, 0, 1, 1], [], []>, precision = #tpu.contract_precision<fp32>, transpose_lhs_hint = false} : vector<64x64xf32>, vector<64x128xf32>, vector<64x128xf32> -> vector<64x128xf32>
    %broadcast_in_dim3A_365 = vector.shape_cast %dot_general3A_364 : vector<64x128xf32> to vector<1x64x128xf32>
    %neg3A_366 = arith.constant 0.000000e+00 : f32
    %neg3A_367 = vector.broadcast %neg3A_366 : f32 to vector<1x64x128xf32>
    %neg3A_368 = arith.subf %neg3A_367, %broadcast_in_dim3A_365 : vector<1x64x128xf32>
    %slice3A_369 = vector.extract_strided_slice %get3A_2 {offsets = [31, 0, 0], sizes = [1, 64, 128], strides = [1, 1, 1]} : vector<32x64x128xf32> to vector<1x64x128xf32>
    %squeeze3A_370 = vector.shape_cast %slice3A_369 : vector<1x64x128xf32> to vector<64x128xf32>
    %dot_general3A_371 = arith.constant dense<0.000000e+00> : vector<64x128xf32>
    %dot_general3A_372 = tpu.matmul %get3A_5, %squeeze3A_370, %dot_general3A_371 {dimension_numbers = #tpu.dot_dimension_numbers<[1], [0], [0], [1], [0, 0, 1, 1], [], []>, precision = #tpu.contract_precision<fp32>, transpose_lhs_hint = false} : vector<64x64xf32>, vector<64x128xf32>, vector<64x128xf32> -> vector<64x128xf32>
    %broadcast_in_dim3A_373 = vector.shape_cast %dot_general3A_372 : vector<64x128xf32> to vector<1x64x128xf32>
    %dot_general3A_374 = arith.constant dense<0.000000e+00> : vector<64x128xf32>
    %dot_general3A_375 = tpu.matmul %get3A_8, %squeeze3A_370, %dot_general3A_374 {dimension_numbers = #tpu.dot_dimension_numbers<[1], [0], [0], [1], [0, 0, 1, 1], [], []>, precision = #tpu.contract_precision<fp32>, transpose_lhs_hint = false} : vector<64x64xf32>, vector<64x128xf32>, vector<64x128xf32> -> vector<64x128xf32>
    %broadcast_in_dim3A_376 = vector.shape_cast %dot_general3A_375 : vector<64x128xf32> to vector<1x64x128xf32>
    %neg3A_377 = arith.constant 0.000000e+00 : f32
    %neg3A_378 = vector.broadcast %neg3A_377 : f32 to vector<1x64x128xf32>
    %neg3A_379 = arith.subf %neg3A_378, %broadcast_in_dim3A_376 : vector<1x64x128xf32>
    %concatenate3A = tpu.concatenate %broadcast_in_dim3A, %broadcast_in_dim3A_43, %broadcast_in_dim3A_54, %broadcast_in_dim3A_65, %broadcast_in_dim3A_76, %broadcast_in_dim3A_87, %broadcast_in_dim3A_98, %broadcast_in_dim3A_109, %broadcast_in_dim3A_120, %broadcast_in_dim3A_131, %broadcast_in_dim3A_142, %broadcast_in_dim3A_153, %broadcast_in_dim3A_164, %broadcast_in_dim3A_175, %broadcast_in_dim3A_186, %broadcast_in_dim3A_197, %broadcast_in_dim3A_208, %broadcast_in_dim3A_219, %broadcast_in_dim3A_230, %broadcast_in_dim3A_241, %broadcast_in_dim3A_252, %broadcast_in_dim3A_263, %broadcast_in_dim3A_274, %broadcast_in_dim3A_285, %broadcast_in_dim3A_296, %broadcast_in_dim3A_307, %broadcast_in_dim3A_318, %broadcast_in_dim3A_329, %broadcast_in_dim3A_340, %broadcast_in_dim3A_351, %broadcast_in_dim3A_362, %broadcast_in_dim3A_373 in 0 : vector<1x64x128xf32>, vector<1x64x128xf32>, vector<1x64x128xf32>, vector<1x64x128xf32>, vector<1x64x128xf32>, vector<1x64x128xf32>, vector<1x64x128xf32>, vector<1x64x128xf32>, vector<1x64x128xf32>, vector<1x64x128xf32>, vector<1x64x128xf32>, vector<1x64x128xf32>, vector<1x64x128xf32>, vector<1x64x128xf32>, vector<1x64x128xf32>, vector<1x64x128xf32>, vector<1x64x128xf32>, vector<1x64x128xf32>, vector<1x64x128xf32>, vector<1x64x128xf32>, vector<1x64x128xf32>, vector<1x64x128xf32>, vector<1x64x128xf32>, vector<1x64x128xf32>, vector<1x64x128xf32>, vector<1x64x128xf32>, vector<1x64x128xf32>, vector<1x64x128xf32>, vector<1x64x128xf32>, vector<1x64x128xf32>, vector<1x64x128xf32>, vector<1x64x128xf32> -> vector<32x64x128xf32>
    %concatenate3A_380 = tpu.concatenate %neg3A_38, %neg3A_49, %neg3A_60, %neg3A_71, %neg3A_82, %neg3A_93, %neg3A_104, %neg3A_115, %neg3A_126, %neg3A_137, %neg3A_148, %neg3A_159, %neg3A_170, %neg3A_181, %neg3A_192, %neg3A_203, %neg3A_214, %neg3A_225, %neg3A_236, %neg3A_247, %neg3A_258, %neg3A_269, %neg3A_280, %neg3A_291, %neg3A_302, %neg3A_313, %neg3A_324, %neg3A_335, %neg3A_346, %neg3A_357, %neg3A_368, %neg3A_379 in 0 : vector<1x64x128xf32>, vector<1x64x128xf32>, vector<1x64x128xf32>, vector<1x64x128xf32>, vector<1x64x128xf32>, vector<1x64x128xf32>, vector<1x64x128xf32>, vector<1x64x128xf32>, vector<1x64x128xf32>, vector<1x64x128xf32>, vector<1x64x128xf32>, vector<1x64x128xf32>, vector<1x64x128xf32>, vector<1x64x128xf32>, vector<1x64x128xf32>, vector<1x64x128xf32>, vector<1x64x128xf32>, vector<1x64x128xf32>, vector<1x64x128xf32>, vector<1x64x128xf32>, vector<1x64x128xf32>, vector<1x64x128xf32>, vector<1x64x128xf32>, vector<1x64x128xf32>, vector<1x64x128xf32>, vector<1x64x128xf32>, vector<1x64x128xf32>, vector<1x64x128xf32>, vector<1x64x128xf32>, vector<1x64x128xf32>, vector<1x64x128xf32>, vector<1x64x128xf32> -> vector<32x64x128xf32>
    %broadcast_in_dim3A_381 = vector.shape_cast %get3A_11 : vector<64x128xf32> to vector<1x64x128xf32>
    %mul3A = vector.broadcast %broadcast_in_dim3A_381 : vector<1x64x128xf32> to vector<32x64x128xf32>
    %mul3A_382 = arith.mulf %concatenate3A, %mul3A : vector<32x64x128xf32>
    %broadcast_in_dim3A_383 = vector.shape_cast %get3A_14 : vector<64x128xf32> to vector<1x64x128xf32>
    %mul3A_384 = vector.broadcast %broadcast_in_dim3A_383 : vector<1x64x128xf32> to vector<32x64x128xf32>
    %mul3A_385 = arith.mulf %concatenate3A_380, %mul3A_384 : vector<32x64x128xf32>
    %add3A = arith.addf %mul3A_382, %mul3A_385 : vector<32x64x128xf32>
    %broadcast_in_dim3A_386 = vector.shape_cast %get3A_11 : vector<64x128xf32> to vector<1x64x128xf32>
    %mul3A_387 = vector.broadcast %broadcast_in_dim3A_386 : vector<1x64x128xf32> to vector<32x64x128xf32>
    %mul3A_388 = arith.mulf %concatenate3A_380, %mul3A_387 : vector<32x64x128xf32>
    %broadcast_in_dim3A_389 = vector.shape_cast %get3A_14 : vector<64x128xf32> to vector<1x64x128xf32>
    %mul3A_390 = vector.broadcast %broadcast_in_dim3A_389 : vector<1x64x128xf32> to vector<32x64x128xf32>
    %mul3A_391 = arith.mulf %concatenate3A, %mul3A_390 : vector<32x64x128xf32>
    %sub3A = arith.subf %mul3A_388, %mul3A_391 : vector<32x64x128xf32>
    %reshape3A = vector.shape_cast %add3A : vector<32x64x128xf32> to vector<2048x128xf32>
    %reshape3A_392 = vector.shape_cast %sub3A : vector<32x64x128xf32> to vector<2048x128xf32>
    %dot_general3A_393 = arith.constant dense<0.000000e+00> : vector<2048x128xf32>
    %dot_general3A_394 = tpu.matmul %reshape3A, %get3A_29, %dot_general3A_393 {dimension_numbers = #tpu.dot_dimension_numbers<[1], [0], [0], [1], [0, 0, 1, 1], [], []>, precision = #tpu.contract_precision<fp32>, transpose_lhs_hint = false} : vector<2048x128xf32>, vector<128x128xf32>, vector<2048x128xf32> -> vector<2048x128xf32>
    %dot_general3A_395 = arith.constant dense<0.000000e+00> : vector<2048x128xf32>
    %dot_general3A_396 = tpu.matmul %reshape3A_392, %get3A_29, %dot_general3A_395 {dimension_numbers = #tpu.dot_dimension_numbers<[1], [0], [0], [1], [0, 0, 1, 1], [], []>, precision = #tpu.contract_precision<fp32>, transpose_lhs_hint = false} : vector<2048x128xf32>, vector<128x128xf32>, vector<2048x128xf32> -> vector<2048x128xf32>
    %slice3A_397 = vector.extract_strided_slice %dot_general3A_394 {offsets = [0, 0], sizes = [2048, 64], strides = [1, 1]} : vector<2048x128xf32> to vector<2048x64xf32>
    %slice3A_398 = vector.extract_strided_slice %dot_general3A_396 {offsets = [0, 64], sizes = [2048, 64], strides = [1, 1]} : vector<2048x128xf32> to vector<2048x64xf32>
    %add3A_399 = arith.addf %slice3A_397, %slice3A_398 : vector<2048x64xf32>
    %slice3A_400 = vector.extract_strided_slice %dot_general3A_396 {offsets = [0, 0], sizes = [2048, 64], strides = [1, 1]} : vector<2048x128xf32> to vector<2048x64xf32>
    %slice3A_401 = vector.extract_strided_slice %dot_general3A_394 {offsets = [0, 64], sizes = [2048, 64], strides = [1, 1]} : vector<2048x128xf32> to vector<2048x64xf32>
    %sub3A_402 = arith.subf %slice3A_400, %slice3A_401 : vector<2048x64xf32>
    %reshape3A_403 = vector.shape_cast %add3A_399 : vector<2048x64xf32> to vector<32x64x64xf32>
    %reshape3A_404 = vector.shape_cast %sub3A_402 : vector<2048x64xf32> to vector<32x64x64xf32>
    %slice3A_405 = vector.extract_strided_slice %add3A {offsets = [0, 0, 0], sizes = [32, 1, 128], strides = [1, 1, 1]} : vector<32x64x128xf32> to vector<32x1x128xf32>
    %squeeze3A_406 = vector.shape_cast %slice3A_405 : vector<32x1x128xf32> to vector<32x128xf32>
    %mul3A_407 = vector.broadcast %get3A_32 : vector<1x128xf32> to vector<32x128xf32>
    %mul3A_408 = arith.mulf %squeeze3A_406, %mul3A_407 : vector<32x128xf32>
    %reduce_sum3A = arith.constant dense<0.000000e+00> : vector<32xf32>
    %reduce_sum3A_409 = vector.multi_reduction <add>, %mul3A_408, %reduce_sum3A [1] : vector<32x128xf32> to vector<32xf32>
    %broadcast_in_dim3A_410 = vector.shape_cast %reduce_sum3A_409 : vector<32xf32> to vector<32x1xf32>
    %slice3A_411 = vector.extract_strided_slice %sub3A {offsets = [0, 0, 0], sizes = [32, 1, 128], strides = [1, 1, 1]} : vector<32x64x128xf32> to vector<32x1x128xf32>
    %squeeze3A_412 = vector.shape_cast %slice3A_411 : vector<32x1x128xf32> to vector<32x128xf32>
    %mul3A_413 = vector.broadcast %get3A_32 : vector<1x128xf32> to vector<32x128xf32>
    %mul3A_414 = arith.mulf %squeeze3A_412, %mul3A_413 : vector<32x128xf32>
    %reduce_sum3A_415 = arith.constant dense<0.000000e+00> : vector<32xf32>
    %reduce_sum3A_416 = vector.multi_reduction <add>, %mul3A_414, %reduce_sum3A_415 [1] : vector<32x128xf32> to vector<32xf32>
    %broadcast_in_dim3A_417 = vector.shape_cast %reduce_sum3A_416 : vector<32xf32> to vector<32x1xf32>
    %mul3A_418 = arith.mulf %broadcast_in_dim3A_410, %broadcast_in_dim3A_410 : vector<32x1xf32>
    %mul3A_419 = arith.mulf %broadcast_in_dim3A_417, %broadcast_in_dim3A_417 : vector<32x1xf32>
    %add3A_420 = arith.addf %mul3A_418, %mul3A_419 : vector<32x1xf32>
    %reshape3A_421 = vector.shape_cast %add3A_420 : vector<32x1xf32> to vector<32x1x1xf32>
    %broadcast_in_dim3A_422 = vector.shape_cast %get3A_20 : vector<64x64xf32> to vector<1x64x64xf32>
    %gt3A = arith.constant 0.000000e+00 : f32
    %gt3A_423 = vector.broadcast %gt3A : f32 to vector<1x64x64xf32>
    %gt3A_424 = arith.cmpf ogt, %broadcast_in_dim3A_422, %gt3A_423 : vector<1x64x64xf32>
    %mul3A_425 = arith.mulf %reshape3A_403, %reshape3A_403 : vector<32x64x64xf32>
    %mul3A_426 = arith.mulf %reshape3A_404, %reshape3A_404 : vector<32x64x64xf32>
    %add3A_427 = arith.addf %mul3A_425, %mul3A_426 : vector<32x64x64xf32>
    %jit3A = arith.constant -1.000000e+00 : f32
    %broadcast_in_dim3A_428 = vector.shape_cast %gt3A_424 : vector<1x64x64xi1> to vector<1x64x64xi1>
    %broadcast_in_dim3A_429 = vector.broadcast %broadcast_in_dim3A_428 : vector<1x64x64xi1> to vector<32x64x64xi1>
    %broadcast_in_dim3A_430 = vector.broadcast %jit3A : f32 to vector<32x64x64xf32>
    %select_n3A = arith.select %broadcast_in_dim3A_429, %add3A_427, %broadcast_in_dim3A_430 : vector<32x64x64xi1>, vector<32x64x64xf32>
    %broadcast_in_dim3A_431 = arith.constant 0.000000e+00 : f32
    %broadcast_in_dim3A_432 = vector.broadcast %broadcast_in_dim3A_431 : f32 to vector<32x64x128xf32>
    %broadcast_in_dim3A_433 = arith.constant false
    %broadcast_in_dim3A_434 = vector.broadcast %broadcast_in_dim3A_433 : i1 to vector<32x1x1xi1>
    %reduce_max3A = arith.constant dense<0xFF800000> : vector<32xf32>
    %reduce_max3A_435 = vector.multi_reduction <maximumf>, %select_n3A, %reduce_max3A [1, 2] : vector<32x64x64xf32> to vector<32xf32>
    %broadcast_in_dim3A_436 = vector.shape_cast %reduce_max3A_435 : vector<32xf32> to vector<32x1x1xf32>
    %jit3A_437 = arith.constant -1.000000e+00 : f32
    %broadcast_in_dim3A_438 = vector.broadcast %jit3A_437 : f32 to vector<32x1x1xf32>
    %select_n3A_439 = arith.select %broadcast_in_dim3A_434, %broadcast_in_dim3A_438, %reshape3A_421 : vector<32x1x1xi1>, vector<32x1x1xf32>
    %gt3A_440 = arith.cmpf ogt, %select_n3A_439, %broadcast_in_dim3A_436 : vector<32x1x1xf32>
    %or3A = arith.ori %broadcast_in_dim3A_434, %gt3A_440 : vector<32x1x1xi1>
    %select_n3A_441 = arith.select %gt3A_440, %select_n3A_439, %broadcast_in_dim3A_436 : vector<32x1x1xi1>, vector<32x1x1xf32>
    %eq3A = vector.broadcast %select_n3A_441 : vector<32x1x1xf32> to vector<32x64x64xf32>
    %eq3A_442 = arith.cmpf oeq, %select_n3A, %eq3A : vector<32x64x64xf32>
    %convert_element_type3A = arith.extui %eq3A_442 : vector<32x64x64xi1> to vector<32x64x64xi32>
    %convert_element_type3A_443 = arith.sitofp %convert_element_type3A : vector<32x64x64xi32> to vector<32x64x64xf32>
    %convert_element_type3A_444 = arith.extui %gt3A_440 : vector<32x1x1xi1> to vector<32x1x1xi32>
    %convert_element_type3A_445 = arith.sitofp %convert_element_type3A_444 : vector<32x1x1xi32> to vector<32x1x1xf32>
    %mul3A_446 = arith.mulf %convert_element_type3A_443, %reshape3A_403 : vector<32x64x64xf32>
    %reduce_sum3A_447 = arith.constant dense<0.000000e+00> : vector<32xf32>
    %reduce_sum3A_448 = vector.multi_reduction <add>, %mul3A_446, %reduce_sum3A_447 [1, 2] : vector<32x64x64xf32> to vector<32xf32>
    %broadcast_in_dim3A_449 = vector.shape_cast %reduce_sum3A_448 : vector<32xf32> to vector<32x1x1xf32>
    %broadcast_in_dim3A_450 = vector.shape_cast %broadcast_in_dim3A_410 : vector<32x1xf32> to vector<32x1x1xf32>
    %mul3A_451 = arith.mulf %convert_element_type3A_445, %broadcast_in_dim3A_450 : vector<32x1x1xf32>
    %add3A_452 = arith.addf %broadcast_in_dim3A_449, %mul3A_451 : vector<32x1x1xf32>
    %mul3A_453 = arith.mulf %convert_element_type3A_443, %reshape3A_404 : vector<32x64x64xf32>
    %reduce_sum3A_454 = arith.constant dense<0.000000e+00> : vector<32xf32>
    %reduce_sum3A_455 = vector.multi_reduction <add>, %mul3A_453, %reduce_sum3A_454 [1, 2] : vector<32x64x64xf32> to vector<32xf32>
    %broadcast_in_dim3A_456 = vector.shape_cast %reduce_sum3A_455 : vector<32xf32> to vector<32x1x1xf32>
    %broadcast_in_dim3A_457 = vector.shape_cast %broadcast_in_dim3A_417 : vector<32x1xf32> to vector<32x1x1xf32>
    %mul3A_458 = arith.mulf %convert_element_type3A_445, %broadcast_in_dim3A_457 : vector<32x1x1xf32>
    %add3A_459 = arith.addf %broadcast_in_dim3A_456, %mul3A_458 : vector<32x1x1xf32>
    %broadcast_in_dim3A_460 = vector.shape_cast %get3A_17 : vector<64x64xf32> to vector<1x64x64xf32>
    %mul3A_461 = vector.broadcast %broadcast_in_dim3A_460 : vector<1x64x64xf32> to vector<32x64x64xf32>
    %mul3A_462 = arith.mulf %convert_element_type3A_443, %mul3A_461 : vector<32x64x64xf32>
    %reduce_sum3A_463 = arith.constant dense<0.000000e+00> : vector<32xf32>
    %reduce_sum3A_464 = vector.multi_reduction <add>, %mul3A_462, %reduce_sum3A_463 [1, 2] : vector<32x64x64xf32> to vector<32xf32>
    %broadcast_in_dim3A_465 = vector.shape_cast %reduce_sum3A_464 : vector<32xf32> to vector<32x1x1xf32>
    %mul3A_466 = arith.constant 4.096000e+03 : f32
    %mul3A_467 = vector.broadcast %mul3A_466 : f32 to vector<32x1x1xf32>
    %mul3A_468 = arith.mulf %convert_element_type3A_445, %mul3A_467 : vector<32x1x1xf32>
    %add3A_469 = arith.addf %broadcast_in_dim3A_465, %mul3A_468 : vector<32x1x1xf32>
    %mul3A_470 = arith.constant 1.562500e-02 : f32
    %mul3A_471 = vector.broadcast %mul3A_470 : f32 to vector<32x1x1xf32>
    %mul3A_472 = arith.mulf %add3A_469, %mul3A_471 : vector<32x1x1xf32>
    %floor3A = math.floor %mul3A_472 : vector<32x1x1xf32>
    %mul3A_473 = arith.constant 6.400000e+01 : f32
    %mul3A_474 = vector.broadcast %mul3A_473 : f32 to vector<32x1x1xf32>
    %mul3A_475 = arith.mulf %mul3A_474, %floor3A : vector<32x1x1xf32>
    %sub3A_476 = arith.subf %add3A_469, %mul3A_475 : vector<32x1x1xf32>
    %eq3A_477 = arith.constant 4.096000e+03 : f32
    %eq3A_478 = vector.broadcast %eq3A_477 : f32 to vector<32x1x1xf32>
    %eq3A_479 = arith.cmpf oeq, %add3A_469, %eq3A_478 : vector<32x1x1xf32>
    %jit3A_480 = arith.constant 1.000000e+00 : f32
    %jit3A_481 = arith.constant 2.000000e+00 : f32
    %broadcast_in_dim3A_482 = vector.broadcast %jit3A_480 : f32 to vector<32x1x1xf32>
    %broadcast_in_dim3A_483 = vector.broadcast %jit3A_481 : f32 to vector<32x1x1xf32>
    %select_n3A_484 = arith.select %eq3A_479, %broadcast_in_dim3A_482, %broadcast_in_dim3A_483 : vector<32x1x1xi1>, vector<32x1x1xf32>
    %reshape3A_485 = vector.shape_cast %sub3A_476 : vector<32x1x1xf32> to vector<32x1xf32>
    %convert_element_type3A_486 = arith.fptosi %reshape3A_485 : vector<32x1xf32> to vector<32x1xi32>
    %reshape3A_487 = vector.shape_cast %floor3A : vector<32x1x1xf32> to vector<32x1xf32>
    %convert_element_type3A_488 = arith.fptosi %reshape3A_487 : vector<32x1xf32> to vector<32x1xi32>
    %iota3A = tpu.iota {dimensions = array<i32: 1>} : vector<32x64xi32>
    %eq3A_489 = vector.broadcast %convert_element_type3A_486 : vector<32x1xi32> to vector<32x64xi32>
    %eq3A_490 = arith.cmpi eq, %iota3A, %eq3A_489 : vector<32x64xi32>
    %convert_element_type3A_491 = arith.extui %eq3A_490 : vector<32x64xi1> to vector<32x64xi32>
    %convert_element_type3A_492 = arith.sitofp %convert_element_type3A_491 : vector<32x64xi32> to vector<32x64xf32>
    %iota3A_493 = tpu.iota {dimensions = array<i32: 1>} : vector<32x128xi32>
    %eq3A_494 = vector.broadcast %convert_element_type3A_488 : vector<32x1xi32> to vector<32x128xi32>
    %eq3A_495 = arith.cmpi eq, %iota3A_493, %eq3A_494 : vector<32x128xi32>
    %convert_element_type3A_496 = arith.extui %eq3A_495 : vector<32x128xi1> to vector<32x128xi32>
    %convert_element_type3A_497 = arith.sitofp %convert_element_type3A_496 : vector<32x128xi32> to vector<32x128xf32>
    %dot_general3A_498 = arith.constant dense<0.000000e+00> : vector<32x64xf32>
    %dot_general3A_499 = tpu.matmul %convert_element_type3A_492, %get3A_5, %dot_general3A_498 {dimension_numbers = #tpu.dot_dimension_numbers<[1], [0], [0], [1], [0, 0, 1, 1], [], []>, precision = #tpu.contract_precision<fp32>, transpose_lhs_hint = false} : vector<32x64xf32>, vector<64x64xf32>, vector<32x64xf32> -> vector<32x64xf32>
    %dot_general3A_500 = arith.constant dense<0.000000e+00> : vector<32x64xf32>
    %dot_general3A_501 = tpu.matmul %convert_element_type3A_492, %get3A_8, %dot_general3A_500 {dimension_numbers = #tpu.dot_dimension_numbers<[1], [0], [0], [1], [0, 0, 1, 1], [], []>, precision = #tpu.contract_precision<fp32>, transpose_lhs_hint = false} : vector<32x64xf32>, vector<64x64xf32>, vector<32x64xf32> -> vector<32x64xf32>
    %dot_general3A_502 = arith.constant dense<0.000000e+00> : vector<32x256xf32>
    %dot_general3A_503 = tpu.matmul %convert_element_type3A_492, %get3A_26, %dot_general3A_502 {dimension_numbers = #tpu.dot_dimension_numbers<[1], [0], [0], [1], [0, 0, 1, 1], [], []>, precision = #tpu.contract_precision<fp32>, transpose_lhs_hint = false} : vector<32x64xf32>, vector<64x256xf32>, vector<32x256xf32> -> vector<32x256xf32>
    %slice3A_504 = vector.extract_strided_slice %dot_general3A_503 {offsets = [0, 0], sizes = [32, 128], strides = [1, 1]} : vector<32x256xf32> to vector<32x128xf32>
    %slice3A_505 = vector.extract_strided_slice %dot_general3A_503 {offsets = [0, 128], sizes = [32, 128], strides = [1, 1]} : vector<32x256xf32> to vector<32x128xf32>
    %dot_general3A_506 = arith.constant dense<0.000000e+00> : vector<32x256xf32>
    %dot_general3A_507 = tpu.matmul %convert_element_type3A_497, %get3A_23, %dot_general3A_506 {dimension_numbers = #tpu.dot_dimension_numbers<[1], [0], [0], [1], [0, 0, 1, 1], [], []>, precision = #tpu.contract_precision<fp32>, transpose_lhs_hint = false} : vector<32x128xf32>, vector<128x256xf32>, vector<32x256xf32> -> vector<32x256xf32>
    %slice3A_508 = vector.extract_strided_slice %dot_general3A_507 {offsets = [0, 0], sizes = [32, 128], strides = [1, 1]} : vector<32x256xf32> to vector<32x128xf32>
    %slice3A_509 = vector.extract_strided_slice %dot_general3A_507 {offsets = [0, 128], sizes = [32, 128], strides = [1, 1]} : vector<32x256xf32> to vector<32x128xf32>
    %mul3A_510 = arith.mulf %slice3A_504, %slice3A_508 : vector<32x128xf32>
    %mul3A_511 = arith.mulf %slice3A_505, %slice3A_509 : vector<32x128xf32>
    %sub3A_512 = arith.subf %mul3A_510, %mul3A_511 : vector<32x128xf32>
    %mul3A_513 = arith.mulf %slice3A_504, %slice3A_509 : vector<32x128xf32>
    %mul3A_514 = arith.mulf %slice3A_505, %slice3A_508 : vector<32x128xf32>
    %add3A_515 = arith.addf %mul3A_513, %mul3A_514 : vector<32x128xf32>
    %mul3A_516 = arith.constant 1.22070313E-4 : f32
    %mul3A_517 = vector.broadcast %mul3A_516 : f32 to vector<32x1x1xf32>
    %mul3A_518 = arith.mulf %select_n3A_484, %mul3A_517 : vector<32x1x1xf32>
    %reshape3A_519 = vector.shape_cast %mul3A_518 : vector<32x1x1xf32> to vector<32x1xf32>
    %reshape3A_520 = vector.shape_cast %add3A_452 : vector<32x1x1xf32> to vector<32x1xf32>
    %reshape3A_521 = vector.shape_cast %add3A_459 : vector<32x1x1xf32> to vector<32x1xf32>
    %mul3A_522 = vector.broadcast %reshape3A_520 : vector<32x1xf32> to vector<32x64xf32>
    %mul3A_523 = arith.mulf %mul3A_522, %dot_general3A_499 : vector<32x64xf32>
    %mul3A_524 = vector.broadcast %reshape3A_521 : vector<32x1xf32> to vector<32x64xf32>
    %mul3A_525 = arith.mulf %mul3A_524, %dot_general3A_501 : vector<32x64xf32>
    %sub3A_526 = arith.subf %mul3A_523, %mul3A_525 : vector<32x64xf32>
    %mul3A_527 = vector.broadcast %reshape3A_519 : vector<32x1xf32> to vector<32x64xf32>
    %mul3A_528 = arith.mulf %mul3A_527, %sub3A_526 : vector<32x64xf32>
    %mul3A_529 = vector.broadcast %reshape3A_520 : vector<32x1xf32> to vector<32x64xf32>
    %mul3A_530 = arith.mulf %mul3A_529, %dot_general3A_501 : vector<32x64xf32>
    %mul3A_531 = vector.broadcast %reshape3A_521 : vector<32x1xf32> to vector<32x64xf32>
    %mul3A_532 = arith.mulf %mul3A_531, %dot_general3A_499 : vector<32x64xf32>
    %add3A_533 = arith.addf %mul3A_530, %mul3A_532 : vector<32x64xf32>
    %mul3A_534 = vector.broadcast %reshape3A_519 : vector<32x1xf32> to vector<32x64xf32>
    %mul3A_535 = arith.mulf %mul3A_534, %add3A_533 : vector<32x64xf32>
    %broadcast_in_dim3A_536 = vector.shape_cast %mul3A_528 : vector<32x64xf32> to vector<32x64x1xf32>
    %broadcast_in_dim3A_537 = vector.shape_cast %sub3A_512 : vector<32x128xf32> to vector<32x1x128xf32>
    %mul3A_538 = vector.broadcast %broadcast_in_dim3A_536 : vector<32x64x1xf32> to vector<32x64x128xf32>
    %mul3A_539 = vector.broadcast %broadcast_in_dim3A_537 : vector<32x1x128xf32> to vector<32x64x128xf32>
    %mul3A_540 = arith.mulf %mul3A_538, %mul3A_539 : vector<32x64x128xf32>
    %add3A_541 = arith.addf %broadcast_in_dim3A_432, %mul3A_540 : vector<32x64x128xf32>
    %broadcast_in_dim3A_542 = vector.shape_cast %mul3A_535 : vector<32x64xf32> to vector<32x64x1xf32>
    %broadcast_in_dim3A_543 = vector.shape_cast %add3A_515 : vector<32x128xf32> to vector<32x1x128xf32>
    %mul3A_544 = vector.broadcast %broadcast_in_dim3A_542 : vector<32x64x1xf32> to vector<32x64x128xf32>
    %mul3A_545 = vector.broadcast %broadcast_in_dim3A_543 : vector<32x1x128xf32> to vector<32x64x128xf32>
    %mul3A_546 = arith.mulf %mul3A_544, %mul3A_545 : vector<32x64x128xf32>
    %sub3A_547 = arith.subf %add3A_541, %mul3A_546 : vector<32x64x128xf32>
    %gt3A_548 = arith.constant 0.000000e+00 : f32
    %gt3A_549 = vector.broadcast %gt3A_548 : f32 to vector<32x64x64xf32>
    %gt3A_550 = arith.cmpf ogt, %convert_element_type3A_443, %gt3A_549 : vector<32x64x64xf32>
    %jit3A_551 = arith.constant -1.000000e+00 : f32
    %broadcast_in_dim3A_552 = vector.broadcast %jit3A_551 : f32 to vector<32x64x64xf32>
    %select_n3A_553 = arith.select %gt3A_550, %broadcast_in_dim3A_552, %select_n3A : vector<32x64x64xi1>, vector<32x64x64xf32>
    %reduce_max3A_554 = arith.constant dense<0xFF800000> : vector<32xf32>
    %reduce_max3A_555 = vector.multi_reduction <maximumf>, %select_n3A_553, %reduce_max3A_554 [1, 2] : vector<32x64x64xf32> to vector<32xf32>
    %broadcast_in_dim3A_556 = vector.shape_cast %reduce_max3A_555 : vector<32xf32> to vector<32x1x1xf32>
    %jit3A_557 = arith.constant -1.000000e+00 : f32
    %broadcast_in_dim3A_558 = vector.broadcast %jit3A_557 : f32 to vector<32x1x1xf32>
    %select_n3A_559 = arith.select %or3A, %broadcast_in_dim3A_558, %reshape3A_421 : vector<32x1x1xi1>, vector<32x1x1xf32>
    %gt3A_560 = arith.cmpf ogt, %select_n3A_559, %broadcast_in_dim3A_556 : vector<32x1x1xf32>
    %or3A_561 = arith.ori %or3A, %gt3A_560 : vector<32x1x1xi1>
    %select_n3A_562 = arith.select %gt3A_560, %select_n3A_559, %broadcast_in_dim3A_556 : vector<32x1x1xi1>, vector<32x1x1xf32>
    %eq3A_563 = vector.broadcast %select_n3A_562 : vector<32x1x1xf32> to vector<32x64x64xf32>
    %eq3A_564 = arith.cmpf oeq, %select_n3A_553, %eq3A_563 : vector<32x64x64xf32>
    %convert_element_type3A_565 = arith.extui %eq3A_564 : vector<32x64x64xi1> to vector<32x64x64xi32>
    %convert_element_type3A_566 = arith.sitofp %convert_element_type3A_565 : vector<32x64x64xi32> to vector<32x64x64xf32>
    %convert_element_type3A_567 = arith.extui %gt3A_560 : vector<32x1x1xi1> to vector<32x1x1xi32>
    %convert_element_type3A_568 = arith.sitofp %convert_element_type3A_567 : vector<32x1x1xi32> to vector<32x1x1xf32>
    %mul3A_569 = arith.mulf %convert_element_type3A_566, %reshape3A_403 : vector<32x64x64xf32>
    %reduce_sum3A_570 = arith.constant dense<0.000000e+00> : vector<32xf32>
    %reduce_sum3A_571 = vector.multi_reduction <add>, %mul3A_569, %reduce_sum3A_570 [1, 2] : vector<32x64x64xf32> to vector<32xf32>
    %broadcast_in_dim3A_572 = vector.shape_cast %reduce_sum3A_571 : vector<32xf32> to vector<32x1x1xf32>
    %broadcast_in_dim3A_573 = vector.shape_cast %broadcast_in_dim3A_410 : vector<32x1xf32> to vector<32x1x1xf32>
    %mul3A_574 = arith.mulf %convert_element_type3A_568, %broadcast_in_dim3A_573 : vector<32x1x1xf32>
    %add3A_575 = arith.addf %broadcast_in_dim3A_572, %mul3A_574 : vector<32x1x1xf32>
    %mul3A_576 = arith.mulf %convert_element_type3A_566, %reshape3A_404 : vector<32x64x64xf32>
    %reduce_sum3A_577 = arith.constant dense<0.000000e+00> : vector<32xf32>
    %reduce_sum3A_578 = vector.multi_reduction <add>, %mul3A_576, %reduce_sum3A_577 [1, 2] : vector<32x64x64xf32> to vector<32xf32>
    %broadcast_in_dim3A_579 = vector.shape_cast %reduce_sum3A_578 : vector<32xf32> to vector<32x1x1xf32>
    %broadcast_in_dim3A_580 = vector.shape_cast %broadcast_in_dim3A_417 : vector<32x1xf32> to vector<32x1x1xf32>
    %mul3A_581 = arith.mulf %convert_element_type3A_568, %broadcast_in_dim3A_580 : vector<32x1x1xf32>
    %add3A_582 = arith.addf %broadcast_in_dim3A_579, %mul3A_581 : vector<32x1x1xf32>
    %broadcast_in_dim3A_583 = vector.shape_cast %get3A_17 : vector<64x64xf32> to vector<1x64x64xf32>
    %mul3A_584 = vector.broadcast %broadcast_in_dim3A_583 : vector<1x64x64xf32> to vector<32x64x64xf32>
    %mul3A_585 = arith.mulf %convert_element_type3A_566, %mul3A_584 : vector<32x64x64xf32>
    %reduce_sum3A_586 = arith.constant dense<0.000000e+00> : vector<32xf32>
    %reduce_sum3A_587 = vector.multi_reduction <add>, %mul3A_585, %reduce_sum3A_586 [1, 2] : vector<32x64x64xf32> to vector<32xf32>
    %broadcast_in_dim3A_588 = vector.shape_cast %reduce_sum3A_587 : vector<32xf32> to vector<32x1x1xf32>
    %mul3A_589 = arith.constant 4.096000e+03 : f32
    %mul3A_590 = vector.broadcast %mul3A_589 : f32 to vector<32x1x1xf32>
    %mul3A_591 = arith.mulf %convert_element_type3A_568, %mul3A_590 : vector<32x1x1xf32>
    %add3A_592 = arith.addf %broadcast_in_dim3A_588, %mul3A_591 : vector<32x1x1xf32>
    %mul3A_593 = arith.constant 1.562500e-02 : f32
    %mul3A_594 = vector.broadcast %mul3A_593 : f32 to vector<32x1x1xf32>
    %mul3A_595 = arith.mulf %add3A_592, %mul3A_594 : vector<32x1x1xf32>
    %floor3A_596 = math.floor %mul3A_595 : vector<32x1x1xf32>
    %mul3A_597 = arith.constant 6.400000e+01 : f32
    %mul3A_598 = vector.broadcast %mul3A_597 : f32 to vector<32x1x1xf32>
    %mul3A_599 = arith.mulf %mul3A_598, %floor3A_596 : vector<32x1x1xf32>
    %sub3A_600 = arith.subf %add3A_592, %mul3A_599 : vector<32x1x1xf32>
    %eq3A_601 = arith.constant 4.096000e+03 : f32
    %eq3A_602 = vector.broadcast %eq3A_601 : f32 to vector<32x1x1xf32>
    %eq3A_603 = arith.cmpf oeq, %add3A_592, %eq3A_602 : vector<32x1x1xf32>
    %jit3A_604 = arith.constant 1.000000e+00 : f32
    %jit3A_605 = arith.constant 2.000000e+00 : f32
    %broadcast_in_dim3A_606 = vector.broadcast %jit3A_604 : f32 to vector<32x1x1xf32>
    %broadcast_in_dim3A_607 = vector.broadcast %jit3A_605 : f32 to vector<32x1x1xf32>
    %select_n3A_608 = arith.select %eq3A_603, %broadcast_in_dim3A_606, %broadcast_in_dim3A_607 : vector<32x1x1xi1>, vector<32x1x1xf32>
    %reshape3A_609 = vector.shape_cast %sub3A_600 : vector<32x1x1xf32> to vector<32x1xf32>
    %convert_element_type3A_610 = arith.fptosi %reshape3A_609 : vector<32x1xf32> to vector<32x1xi32>
    %reshape3A_611 = vector.shape_cast %floor3A_596 : vector<32x1x1xf32> to vector<32x1xf32>
    %convert_element_type3A_612 = arith.fptosi %reshape3A_611 : vector<32x1xf32> to vector<32x1xi32>
    %iota3A_613 = tpu.iota {dimensions = array<i32: 1>} : vector<32x64xi32>
    %eq3A_614 = vector.broadcast %convert_element_type3A_610 : vector<32x1xi32> to vector<32x64xi32>
    %eq3A_615 = arith.cmpi eq, %iota3A_613, %eq3A_614 : vector<32x64xi32>
    %convert_element_type3A_616 = arith.extui %eq3A_615 : vector<32x64xi1> to vector<32x64xi32>
    %convert_element_type3A_617 = arith.sitofp %convert_element_type3A_616 : vector<32x64xi32> to vector<32x64xf32>
    %iota3A_618 = tpu.iota {dimensions = array<i32: 1>} : vector<32x128xi32>
    %eq3A_619 = vector.broadcast %convert_element_type3A_612 : vector<32x1xi32> to vector<32x128xi32>
    %eq3A_620 = arith.cmpi eq, %iota3A_618, %eq3A_619 : vector<32x128xi32>
    %convert_element_type3A_621 = arith.extui %eq3A_620 : vector<32x128xi1> to vector<32x128xi32>
    %convert_element_type3A_622 = arith.sitofp %convert_element_type3A_621 : vector<32x128xi32> to vector<32x128xf32>
    %dot_general3A_623 = arith.constant dense<0.000000e+00> : vector<32x64xf32>
    %dot_general3A_624 = tpu.matmul %convert_element_type3A_617, %get3A_5, %dot_general3A_623 {dimension_numbers = #tpu.dot_dimension_numbers<[1], [0], [0], [1], [0, 0, 1, 1], [], []>, precision = #tpu.contract_precision<fp32>, transpose_lhs_hint = false} : vector<32x64xf32>, vector<64x64xf32>, vector<32x64xf32> -> vector<32x64xf32>
    %dot_general3A_625 = arith.constant dense<0.000000e+00> : vector<32x64xf32>
    %dot_general3A_626 = tpu.matmul %convert_element_type3A_617, %get3A_8, %dot_general3A_625 {dimension_numbers = #tpu.dot_dimension_numbers<[1], [0], [0], [1], [0, 0, 1, 1], [], []>, precision = #tpu.contract_precision<fp32>, transpose_lhs_hint = false} : vector<32x64xf32>, vector<64x64xf32>, vector<32x64xf32> -> vector<32x64xf32>
    %dot_general3A_627 = arith.constant dense<0.000000e+00> : vector<32x256xf32>
    %dot_general3A_628 = tpu.matmul %convert_element_type3A_617, %get3A_26, %dot_general3A_627 {dimension_numbers = #tpu.dot_dimension_numbers<[1], [0], [0], [1], [0, 0, 1, 1], [], []>, precision = #tpu.contract_precision<fp32>, transpose_lhs_hint = false} : vector<32x64xf32>, vector<64x256xf32>, vector<32x256xf32> -> vector<32x256xf32>
    %slice3A_629 = vector.extract_strided_slice %dot_general3A_628 {offsets = [0, 0], sizes = [32, 128], strides = [1, 1]} : vector<32x256xf32> to vector<32x128xf32>
    %slice3A_630 = vector.extract_strided_slice %dot_general3A_628 {offsets = [0, 128], sizes = [32, 128], strides = [1, 1]} : vector<32x256xf32> to vector<32x128xf32>
    %dot_general3A_631 = arith.constant dense<0.000000e+00> : vector<32x256xf32>
    %dot_general3A_632 = tpu.matmul %convert_element_type3A_622, %get3A_23, %dot_general3A_631 {dimension_numbers = #tpu.dot_dimension_numbers<[1], [0], [0], [1], [0, 0, 1, 1], [], []>, precision = #tpu.contract_precision<fp32>, transpose_lhs_hint = false} : vector<32x128xf32>, vector<128x256xf32>, vector<32x256xf32> -> vector<32x256xf32>
    %slice3A_633 = vector.extract_strided_slice %dot_general3A_632 {offsets = [0, 0], sizes = [32, 128], strides = [1, 1]} : vector<32x256xf32> to vector<32x128xf32>
    %slice3A_634 = vector.extract_strided_slice %dot_general3A_632 {offsets = [0, 128], sizes = [32, 128], strides = [1, 1]} : vector<32x256xf32> to vector<32x128xf32>
    %mul3A_635 = arith.mulf %slice3A_629, %slice3A_633 : vector<32x128xf32>
    %mul3A_636 = arith.mulf %slice3A_630, %slice3A_634 : vector<32x128xf32>
    %sub3A_637 = arith.subf %mul3A_635, %mul3A_636 : vector<32x128xf32>
    %mul3A_638 = arith.mulf %slice3A_629, %slice3A_634 : vector<32x128xf32>
    %mul3A_639 = arith.mulf %slice3A_630, %slice3A_633 : vector<32x128xf32>
    %add3A_640 = arith.addf %mul3A_638, %mul3A_639 : vector<32x128xf32>
    %mul3A_641 = arith.constant 1.22070313E-4 : f32
    %mul3A_642 = vector.broadcast %mul3A_641 : f32 to vector<32x1x1xf32>
    %mul3A_643 = arith.mulf %select_n3A_608, %mul3A_642 : vector<32x1x1xf32>
    %reshape3A_644 = vector.shape_cast %mul3A_643 : vector<32x1x1xf32> to vector<32x1xf32>
    %reshape3A_645 = vector.shape_cast %add3A_575 : vector<32x1x1xf32> to vector<32x1xf32>
    %reshape3A_646 = vector.shape_cast %add3A_582 : vector<32x1x1xf32> to vector<32x1xf32>
    %mul3A_647 = vector.broadcast %reshape3A_645 : vector<32x1xf32> to vector<32x64xf32>
    %mul3A_648 = arith.mulf %mul3A_647, %dot_general3A_624 : vector<32x64xf32>
    %mul3A_649 = vector.broadcast %reshape3A_646 : vector<32x1xf32> to vector<32x64xf32>
    %mul3A_650 = arith.mulf %mul3A_649, %dot_general3A_626 : vector<32x64xf32>
    %sub3A_651 = arith.subf %mul3A_648, %mul3A_650 : vector<32x64xf32>
    %mul3A_652 = vector.broadcast %reshape3A_644 : vector<32x1xf32> to vector<32x64xf32>
    %mul3A_653 = arith.mulf %mul3A_652, %sub3A_651 : vector<32x64xf32>
    %mul3A_654 = vector.broadcast %reshape3A_645 : vector<32x1xf32> to vector<32x64xf32>
    %mul3A_655 = arith.mulf %mul3A_654, %dot_general3A_626 : vector<32x64xf32>
    %mul3A_656 = vector.broadcast %reshape3A_646 : vector<32x1xf32> to vector<32x64xf32>
    %mul3A_657 = arith.mulf %mul3A_656, %dot_general3A_624 : vector<32x64xf32>
    %add3A_658 = arith.addf %mul3A_655, %mul3A_657 : vector<32x64xf32>
    %mul3A_659 = vector.broadcast %reshape3A_644 : vector<32x1xf32> to vector<32x64xf32>
    %mul3A_660 = arith.mulf %mul3A_659, %add3A_658 : vector<32x64xf32>
    %broadcast_in_dim3A_661 = vector.shape_cast %mul3A_653 : vector<32x64xf32> to vector<32x64x1xf32>
    %broadcast_in_dim3A_662 = vector.shape_cast %sub3A_637 : vector<32x128xf32> to vector<32x1x128xf32>
    %mul3A_663 = vector.broadcast %broadcast_in_dim3A_661 : vector<32x64x1xf32> to vector<32x64x128xf32>
    %mul3A_664 = vector.broadcast %broadcast_in_dim3A_662 : vector<32x1x128xf32> to vector<32x64x128xf32>
    %mul3A_665 = arith.mulf %mul3A_663, %mul3A_664 : vector<32x64x128xf32>
    %add3A_666 = arith.addf %sub3A_547, %mul3A_665 : vector<32x64x128xf32>
    %broadcast_in_dim3A_667 = vector.shape_cast %mul3A_660 : vector<32x64xf32> to vector<32x64x1xf32>
    %broadcast_in_dim3A_668 = vector.shape_cast %add3A_640 : vector<32x128xf32> to vector<32x1x128xf32>
    %mul3A_669 = vector.broadcast %broadcast_in_dim3A_667 : vector<32x64x1xf32> to vector<32x64x128xf32>
    %mul3A_670 = vector.broadcast %broadcast_in_dim3A_668 : vector<32x1x128xf32> to vector<32x64x128xf32>
    %mul3A_671 = arith.mulf %mul3A_669, %mul3A_670 : vector<32x64x128xf32>
    %sub3A_672 = arith.subf %add3A_666, %mul3A_671 : vector<32x64x128xf32>
    %gt3A_673 = arith.constant 0.000000e+00 : f32
    %gt3A_674 = vector.broadcast %gt3A_673 : f32 to vector<32x64x64xf32>
    %gt3A_675 = arith.cmpf ogt, %convert_element_type3A_566, %gt3A_674 : vector<32x64x64xf32>
    %jit3A_676 = arith.constant -1.000000e+00 : f32
    %broadcast_in_dim3A_677 = vector.broadcast %jit3A_676 : f32 to vector<32x64x64xf32>
    %select_n3A_678 = arith.select %gt3A_675, %broadcast_in_dim3A_677, %select_n3A_553 : vector<32x64x64xi1>, vector<32x64x64xf32>
    %reduce_max3A_679 = arith.constant dense<0xFF800000> : vector<32xf32>
    %reduce_max3A_680 = vector.multi_reduction <maximumf>, %select_n3A_678, %reduce_max3A_679 [1, 2] : vector<32x64x64xf32> to vector<32xf32>
    %broadcast_in_dim3A_681 = vector.shape_cast %reduce_max3A_680 : vector<32xf32> to vector<32x1x1xf32>
    %jit3A_682 = arith.constant -1.000000e+00 : f32
    %broadcast_in_dim3A_683 = vector.broadcast %jit3A_682 : f32 to vector<32x1x1xf32>
    %select_n3A_684 = arith.select %or3A_561, %broadcast_in_dim3A_683, %reshape3A_421 : vector<32x1x1xi1>, vector<32x1x1xf32>
    %gt3A_685 = arith.cmpf ogt, %select_n3A_684, %broadcast_in_dim3A_681 : vector<32x1x1xf32>
    %or3A_686 = arith.ori %or3A_561, %gt3A_685 : vector<32x1x1xi1>
    %select_n3A_687 = arith.select %gt3A_685, %select_n3A_684, %broadcast_in_dim3A_681 : vector<32x1x1xi1>, vector<32x1x1xf32>
    %eq3A_688 = vector.broadcast %select_n3A_687 : vector<32x1x1xf32> to vector<32x64x64xf32>
    %eq3A_689 = arith.cmpf oeq, %select_n3A_678, %eq3A_688 : vector<32x64x64xf32>
    %convert_element_type3A_690 = arith.extui %eq3A_689 : vector<32x64x64xi1> to vector<32x64x64xi32>
    %convert_element_type3A_691 = arith.sitofp %convert_element_type3A_690 : vector<32x64x64xi32> to vector<32x64x64xf32>
    %convert_element_type3A_692 = arith.extui %gt3A_685 : vector<32x1x1xi1> to vector<32x1x1xi32>
    %convert_element_type3A_693 = arith.sitofp %convert_element_type3A_692 : vector<32x1x1xi32> to vector<32x1x1xf32>
    %mul3A_694 = arith.mulf %convert_element_type3A_691, %reshape3A_403 : vector<32x64x64xf32>
    %reduce_sum3A_695 = arith.constant dense<0.000000e+00> : vector<32xf32>
    %reduce_sum3A_696 = vector.multi_reduction <add>, %mul3A_694, %reduce_sum3A_695 [1, 2] : vector<32x64x64xf32> to vector<32xf32>
    %broadcast_in_dim3A_697 = vector.shape_cast %reduce_sum3A_696 : vector<32xf32> to vector<32x1x1xf32>
    %broadcast_in_dim3A_698 = vector.shape_cast %broadcast_in_dim3A_410 : vector<32x1xf32> to vector<32x1x1xf32>
    %mul3A_699 = arith.mulf %convert_element_type3A_693, %broadcast_in_dim3A_698 : vector<32x1x1xf32>
    %add3A_700 = arith.addf %broadcast_in_dim3A_697, %mul3A_699 : vector<32x1x1xf32>
    %mul3A_701 = arith.mulf %convert_element_type3A_691, %reshape3A_404 : vector<32x64x64xf32>
    %reduce_sum3A_702 = arith.constant dense<0.000000e+00> : vector<32xf32>
    %reduce_sum3A_703 = vector.multi_reduction <add>, %mul3A_701, %reduce_sum3A_702 [1, 2] : vector<32x64x64xf32> to vector<32xf32>
    %broadcast_in_dim3A_704 = vector.shape_cast %reduce_sum3A_703 : vector<32xf32> to vector<32x1x1xf32>
    %broadcast_in_dim3A_705 = vector.shape_cast %broadcast_in_dim3A_417 : vector<32x1xf32> to vector<32x1x1xf32>
    %mul3A_706 = arith.mulf %convert_element_type3A_693, %broadcast_in_dim3A_705 : vector<32x1x1xf32>
    %add3A_707 = arith.addf %broadcast_in_dim3A_704, %mul3A_706 : vector<32x1x1xf32>
    %broadcast_in_dim3A_708 = vector.shape_cast %get3A_17 : vector<64x64xf32> to vector<1x64x64xf32>
    %mul3A_709 = vector.broadcast %broadcast_in_dim3A_708 : vector<1x64x64xf32> to vector<32x64x64xf32>
    %mul3A_710 = arith.mulf %convert_element_type3A_691, %mul3A_709 : vector<32x64x64xf32>
    %reduce_sum3A_711 = arith.constant dense<0.000000e+00> : vector<32xf32>
    %reduce_sum3A_712 = vector.multi_reduction <add>, %mul3A_710, %reduce_sum3A_711 [1, 2] : vector<32x64x64xf32> to vector<32xf32>
    %broadcast_in_dim3A_713 = vector.shape_cast %reduce_sum3A_712 : vector<32xf32> to vector<32x1x1xf32>
    %mul3A_714 = arith.constant 4.096000e+03 : f32
    %mul3A_715 = vector.broadcast %mul3A_714 : f32 to vector<32x1x1xf32>
    %mul3A_716 = arith.mulf %convert_element_type3A_693, %mul3A_715 : vector<32x1x1xf32>
    %add3A_717 = arith.addf %broadcast_in_dim3A_713, %mul3A_716 : vector<32x1x1xf32>
    %mul3A_718 = arith.constant 1.562500e-02 : f32
    %mul3A_719 = vector.broadcast %mul3A_718 : f32 to vector<32x1x1xf32>
    %mul3A_720 = arith.mulf %add3A_717, %mul3A_719 : vector<32x1x1xf32>
    %floor3A_721 = math.floor %mul3A_720 : vector<32x1x1xf32>
    %mul3A_722 = arith.constant 6.400000e+01 : f32
    %mul3A_723 = vector.broadcast %mul3A_722 : f32 to vector<32x1x1xf32>
    %mul3A_724 = arith.mulf %mul3A_723, %floor3A_721 : vector<32x1x1xf32>
    %sub3A_725 = arith.subf %add3A_717, %mul3A_724 : vector<32x1x1xf32>
    %eq3A_726 = arith.constant 4.096000e+03 : f32
    %eq3A_727 = vector.broadcast %eq3A_726 : f32 to vector<32x1x1xf32>
    %eq3A_728 = arith.cmpf oeq, %add3A_717, %eq3A_727 : vector<32x1x1xf32>
    %jit3A_729 = arith.constant 1.000000e+00 : f32
    %jit3A_730 = arith.constant 2.000000e+00 : f32
    %broadcast_in_dim3A_731 = vector.broadcast %jit3A_729 : f32 to vector<32x1x1xf32>
    %broadcast_in_dim3A_732 = vector.broadcast %jit3A_730 : f32 to vector<32x1x1xf32>
    %select_n3A_733 = arith.select %eq3A_728, %broadcast_in_dim3A_731, %broadcast_in_dim3A_732 : vector<32x1x1xi1>, vector<32x1x1xf32>
    %reshape3A_734 = vector.shape_cast %sub3A_725 : vector<32x1x1xf32> to vector<32x1xf32>
    %convert_element_type3A_735 = arith.fptosi %reshape3A_734 : vector<32x1xf32> to vector<32x1xi32>
    %reshape3A_736 = vector.shape_cast %floor3A_721 : vector<32x1x1xf32> to vector<32x1xf32>
    %convert_element_type3A_737 = arith.fptosi %reshape3A_736 : vector<32x1xf32> to vector<32x1xi32>
    %iota3A_738 = tpu.iota {dimensions = array<i32: 1>} : vector<32x64xi32>
    %eq3A_739 = vector.broadcast %convert_element_type3A_735 : vector<32x1xi32> to vector<32x64xi32>
    %eq3A_740 = arith.cmpi eq, %iota3A_738, %eq3A_739 : vector<32x64xi32>
    %convert_element_type3A_741 = arith.extui %eq3A_740 : vector<32x64xi1> to vector<32x64xi32>
    %convert_element_type3A_742 = arith.sitofp %convert_element_type3A_741 : vector<32x64xi32> to vector<32x64xf32>
    %iota3A_743 = tpu.iota {dimensions = array<i32: 1>} : vector<32x128xi32>
    %eq3A_744 = vector.broadcast %convert_element_type3A_737 : vector<32x1xi32> to vector<32x128xi32>
    %eq3A_745 = arith.cmpi eq, %iota3A_743, %eq3A_744 : vector<32x128xi32>
    %convert_element_type3A_746 = arith.extui %eq3A_745 : vector<32x128xi1> to vector<32x128xi32>
    %convert_element_type3A_747 = arith.sitofp %convert_element_type3A_746 : vector<32x128xi32> to vector<32x128xf32>
    %dot_general3A_748 = arith.constant dense<0.000000e+00> : vector<32x64xf32>
    %dot_general3A_749 = tpu.matmul %convert_element_type3A_742, %get3A_5, %dot_general3A_748 {dimension_numbers = #tpu.dot_dimension_numbers<[1], [0], [0], [1], [0, 0, 1, 1], [], []>, precision = #tpu.contract_precision<fp32>, transpose_lhs_hint = false} : vector<32x64xf32>, vector<64x64xf32>, vector<32x64xf32> -> vector<32x64xf32>
    %dot_general3A_750 = arith.constant dense<0.000000e+00> : vector<32x64xf32>
    %dot_general3A_751 = tpu.matmul %convert_element_type3A_742, %get3A_8, %dot_general3A_750 {dimension_numbers = #tpu.dot_dimension_numbers<[1], [0], [0], [1], [0, 0, 1, 1], [], []>, precision = #tpu.contract_precision<fp32>, transpose_lhs_hint = false} : vector<32x64xf32>, vector<64x64xf32>, vector<32x64xf32> -> vector<32x64xf32>
    %dot_general3A_752 = arith.constant dense<0.000000e+00> : vector<32x256xf32>
    %dot_general3A_753 = tpu.matmul %convert_element_type3A_742, %get3A_26, %dot_general3A_752 {dimension_numbers = #tpu.dot_dimension_numbers<[1], [0], [0], [1], [0, 0, 1, 1], [], []>, precision = #tpu.contract_precision<fp32>, transpose_lhs_hint = false} : vector<32x64xf32>, vector<64x256xf32>, vector<32x256xf32> -> vector<32x256xf32>
    %slice3A_754 = vector.extract_strided_slice %dot_general3A_753 {offsets = [0, 0], sizes = [32, 128], strides = [1, 1]} : vector<32x256xf32> to vector<32x128xf32>
    %slice3A_755 = vector.extract_strided_slice %dot_general3A_753 {offsets = [0, 128], sizes = [32, 128], strides = [1, 1]} : vector<32x256xf32> to vector<32x128xf32>
    %dot_general3A_756 = arith.constant dense<0.000000e+00> : vector<32x256xf32>
    %dot_general3A_757 = tpu.matmul %convert_element_type3A_747, %get3A_23, %dot_general3A_756 {dimension_numbers = #tpu.dot_dimension_numbers<[1], [0], [0], [1], [0, 0, 1, 1], [], []>, precision = #tpu.contract_precision<fp32>, transpose_lhs_hint = false} : vector<32x128xf32>, vector<128x256xf32>, vector<32x256xf32> -> vector<32x256xf32>
    %slice3A_758 = vector.extract_strided_slice %dot_general3A_757 {offsets = [0, 0], sizes = [32, 128], strides = [1, 1]} : vector<32x256xf32> to vector<32x128xf32>
    %slice3A_759 = vector.extract_strided_slice %dot_general3A_757 {offsets = [0, 128], sizes = [32, 128], strides = [1, 1]} : vector<32x256xf32> to vector<32x128xf32>
    %mul3A_760 = arith.mulf %slice3A_754, %slice3A_758 : vector<32x128xf32>
    %mul3A_761 = arith.mulf %slice3A_755, %slice3A_759 : vector<32x128xf32>
    %sub3A_762 = arith.subf %mul3A_760, %mul3A_761 : vector<32x128xf32>
    %mul3A_763 = arith.mulf %slice3A_754, %slice3A_759 : vector<32x128xf32>
    %mul3A_764 = arith.mulf %slice3A_755, %slice3A_758 : vector<32x128xf32>
    %add3A_765 = arith.addf %mul3A_763, %mul3A_764 : vector<32x128xf32>
    %mul3A_766 = arith.constant 1.22070313E-4 : f32
    %mul3A_767 = vector.broadcast %mul3A_766 : f32 to vector<32x1x1xf32>
    %mul3A_768 = arith.mulf %select_n3A_733, %mul3A_767 : vector<32x1x1xf32>
    %reshape3A_769 = vector.shape_cast %mul3A_768 : vector<32x1x1xf32> to vector<32x1xf32>
    %reshape3A_770 = vector.shape_cast %add3A_700 : vector<32x1x1xf32> to vector<32x1xf32>
    %reshape3A_771 = vector.shape_cast %add3A_707 : vector<32x1x1xf32> to vector<32x1xf32>
    %mul3A_772 = vector.broadcast %reshape3A_770 : vector<32x1xf32> to vector<32x64xf32>
    %mul3A_773 = arith.mulf %mul3A_772, %dot_general3A_749 : vector<32x64xf32>
    %mul3A_774 = vector.broadcast %reshape3A_771 : vector<32x1xf32> to vector<32x64xf32>
    %mul3A_775 = arith.mulf %mul3A_774, %dot_general3A_751 : vector<32x64xf32>
    %sub3A_776 = arith.subf %mul3A_773, %mul3A_775 : vector<32x64xf32>
    %mul3A_777 = vector.broadcast %reshape3A_769 : vector<32x1xf32> to vector<32x64xf32>
    %mul3A_778 = arith.mulf %mul3A_777, %sub3A_776 : vector<32x64xf32>
    %mul3A_779 = vector.broadcast %reshape3A_770 : vector<32x1xf32> to vector<32x64xf32>
    %mul3A_780 = arith.mulf %mul3A_779, %dot_general3A_751 : vector<32x64xf32>
    %mul3A_781 = vector.broadcast %reshape3A_771 : vector<32x1xf32> to vector<32x64xf32>
    %mul3A_782 = arith.mulf %mul3A_781, %dot_general3A_749 : vector<32x64xf32>
    %add3A_783 = arith.addf %mul3A_780, %mul3A_782 : vector<32x64xf32>
    %mul3A_784 = vector.broadcast %reshape3A_769 : vector<32x1xf32> to vector<32x64xf32>
    %mul3A_785 = arith.mulf %mul3A_784, %add3A_783 : vector<32x64xf32>
    %broadcast_in_dim3A_786 = vector.shape_cast %mul3A_778 : vector<32x64xf32> to vector<32x64x1xf32>
    %broadcast_in_dim3A_787 = vector.shape_cast %sub3A_762 : vector<32x128xf32> to vector<32x1x128xf32>
    %mul3A_788 = vector.broadcast %broadcast_in_dim3A_786 : vector<32x64x1xf32> to vector<32x64x128xf32>
    %mul3A_789 = vector.broadcast %broadcast_in_dim3A_787 : vector<32x1x128xf32> to vector<32x64x128xf32>
    %mul3A_790 = arith.mulf %mul3A_788, %mul3A_789 : vector<32x64x128xf32>
    %add3A_791 = arith.addf %sub3A_672, %mul3A_790 : vector<32x64x128xf32>
    %broadcast_in_dim3A_792 = vector.shape_cast %mul3A_785 : vector<32x64xf32> to vector<32x64x1xf32>
    %broadcast_in_dim3A_793 = vector.shape_cast %add3A_765 : vector<32x128xf32> to vector<32x1x128xf32>
    %mul3A_794 = vector.broadcast %broadcast_in_dim3A_792 : vector<32x64x1xf32> to vector<32x64x128xf32>
    %mul3A_795 = vector.broadcast %broadcast_in_dim3A_793 : vector<32x1x128xf32> to vector<32x64x128xf32>
    %mul3A_796 = arith.mulf %mul3A_794, %mul3A_795 : vector<32x64x128xf32>
    %sub3A_797 = arith.subf %add3A_791, %mul3A_796 : vector<32x64x128xf32>
    %gt3A_798 = arith.constant 0.000000e+00 : f32
    %gt3A_799 = vector.broadcast %gt3A_798 : f32 to vector<32x64x64xf32>
    %gt3A_800 = arith.cmpf ogt, %convert_element_type3A_691, %gt3A_799 : vector<32x64x64xf32>
    %jit3A_801 = arith.constant -1.000000e+00 : f32
    %broadcast_in_dim3A_802 = vector.broadcast %jit3A_801 : f32 to vector<32x64x64xf32>
    %select_n3A_803 = arith.select %gt3A_800, %broadcast_in_dim3A_802, %select_n3A_678 : vector<32x64x64xi1>, vector<32x64x64xf32>
    %reduce_max3A_804 = arith.constant dense<0xFF800000> : vector<32xf32>
    %reduce_max3A_805 = vector.multi_reduction <maximumf>, %select_n3A_803, %reduce_max3A_804 [1, 2] : vector<32x64x64xf32> to vector<32xf32>
    %broadcast_in_dim3A_806 = vector.shape_cast %reduce_max3A_805 : vector<32xf32> to vector<32x1x1xf32>
    %jit3A_807 = arith.constant -1.000000e+00 : f32
    %broadcast_in_dim3A_808 = vector.broadcast %jit3A_807 : f32 to vector<32x1x1xf32>
    %select_n3A_809 = arith.select %or3A_686, %broadcast_in_dim3A_808, %reshape3A_421 : vector<32x1x1xi1>, vector<32x1x1xf32>
    %gt3A_810 = arith.cmpf ogt, %select_n3A_809, %broadcast_in_dim3A_806 : vector<32x1x1xf32>
    %or3A_811 = arith.ori %or3A_686, %gt3A_810 : vector<32x1x1xi1>
    %select_n3A_812 = arith.select %gt3A_810, %select_n3A_809, %broadcast_in_dim3A_806 : vector<32x1x1xi1>, vector<32x1x1xf32>
    %eq3A_813 = vector.broadcast %select_n3A_812 : vector<32x1x1xf32> to vector<32x64x64xf32>
    %eq3A_814 = arith.cmpf oeq, %select_n3A_803, %eq3A_813 : vector<32x64x64xf32>
    %convert_element_type3A_815 = arith.extui %eq3A_814 : vector<32x64x64xi1> to vector<32x64x64xi32>
    %convert_element_type3A_816 = arith.sitofp %convert_element_type3A_815 : vector<32x64x64xi32> to vector<32x64x64xf32>
    %convert_element_type3A_817 = arith.extui %gt3A_810 : vector<32x1x1xi1> to vector<32x1x1xi32>
    %convert_element_type3A_818 = arith.sitofp %convert_element_type3A_817 : vector<32x1x1xi32> to vector<32x1x1xf32>
    %mul3A_819 = arith.mulf %convert_element_type3A_816, %reshape3A_403 : vector<32x64x64xf32>
    %reduce_sum3A_820 = arith.constant dense<0.000000e+00> : vector<32xf32>
    %reduce_sum3A_821 = vector.multi_reduction <add>, %mul3A_819, %reduce_sum3A_820 [1, 2] : vector<32x64x64xf32> to vector<32xf32>
    %broadcast_in_dim3A_822 = vector.shape_cast %reduce_sum3A_821 : vector<32xf32> to vector<32x1x1xf32>
    %broadcast_in_dim3A_823 = vector.shape_cast %broadcast_in_dim3A_410 : vector<32x1xf32> to vector<32x1x1xf32>
    %mul3A_824 = arith.mulf %convert_element_type3A_818, %broadcast_in_dim3A_823 : vector<32x1x1xf32>
    %add3A_825 = arith.addf %broadcast_in_dim3A_822, %mul3A_824 : vector<32x1x1xf32>
    %mul3A_826 = arith.mulf %convert_element_type3A_816, %reshape3A_404 : vector<32x64x64xf32>
    %reduce_sum3A_827 = arith.constant dense<0.000000e+00> : vector<32xf32>
    %reduce_sum3A_828 = vector.multi_reduction <add>, %mul3A_826, %reduce_sum3A_827 [1, 2] : vector<32x64x64xf32> to vector<32xf32>
    %broadcast_in_dim3A_829 = vector.shape_cast %reduce_sum3A_828 : vector<32xf32> to vector<32x1x1xf32>
    %broadcast_in_dim3A_830 = vector.shape_cast %broadcast_in_dim3A_417 : vector<32x1xf32> to vector<32x1x1xf32>
    %mul3A_831 = arith.mulf %convert_element_type3A_818, %broadcast_in_dim3A_830 : vector<32x1x1xf32>
    %add3A_832 = arith.addf %broadcast_in_dim3A_829, %mul3A_831 : vector<32x1x1xf32>
    %broadcast_in_dim3A_833 = vector.shape_cast %get3A_17 : vector<64x64xf32> to vector<1x64x64xf32>
    %mul3A_834 = vector.broadcast %broadcast_in_dim3A_833 : vector<1x64x64xf32> to vector<32x64x64xf32>
    %mul3A_835 = arith.mulf %convert_element_type3A_816, %mul3A_834 : vector<32x64x64xf32>
    %reduce_sum3A_836 = arith.constant dense<0.000000e+00> : vector<32xf32>
    %reduce_sum3A_837 = vector.multi_reduction <add>, %mul3A_835, %reduce_sum3A_836 [1, 2] : vector<32x64x64xf32> to vector<32xf32>
    %broadcast_in_dim3A_838 = vector.shape_cast %reduce_sum3A_837 : vector<32xf32> to vector<32x1x1xf32>
    %mul3A_839 = arith.constant 4.096000e+03 : f32
    %mul3A_840 = vector.broadcast %mul3A_839 : f32 to vector<32x1x1xf32>
    %mul3A_841 = arith.mulf %convert_element_type3A_818, %mul3A_840 : vector<32x1x1xf32>
    %add3A_842 = arith.addf %broadcast_in_dim3A_838, %mul3A_841 : vector<32x1x1xf32>
    %mul3A_843 = arith.constant 1.562500e-02 : f32
    %mul3A_844 = vector.broadcast %mul3A_843 : f32 to vector<32x1x1xf32>
    %mul3A_845 = arith.mulf %add3A_842, %mul3A_844 : vector<32x1x1xf32>
    %floor3A_846 = math.floor %mul3A_845 : vector<32x1x1xf32>
    %mul3A_847 = arith.constant 6.400000e+01 : f32
    %mul3A_848 = vector.broadcast %mul3A_847 : f32 to vector<32x1x1xf32>
    %mul3A_849 = arith.mulf %mul3A_848, %floor3A_846 : vector<32x1x1xf32>
    %sub3A_850 = arith.subf %add3A_842, %mul3A_849 : vector<32x1x1xf32>
    %eq3A_851 = arith.constant 4.096000e+03 : f32
    %eq3A_852 = vector.broadcast %eq3A_851 : f32 to vector<32x1x1xf32>
    %eq3A_853 = arith.cmpf oeq, %add3A_842, %eq3A_852 : vector<32x1x1xf32>
    %jit3A_854 = arith.constant 1.000000e+00 : f32
    %jit3A_855 = arith.constant 2.000000e+00 : f32
    %broadcast_in_dim3A_856 = vector.broadcast %jit3A_854 : f32 to vector<32x1x1xf32>
    %broadcast_in_dim3A_857 = vector.broadcast %jit3A_855 : f32 to vector<32x1x1xf32>
    %select_n3A_858 = arith.select %eq3A_853, %broadcast_in_dim3A_856, %broadcast_in_dim3A_857 : vector<32x1x1xi1>, vector<32x1x1xf32>
    %reshape3A_859 = vector.shape_cast %sub3A_850 : vector<32x1x1xf32> to vector<32x1xf32>
    %convert_element_type3A_860 = arith.fptosi %reshape3A_859 : vector<32x1xf32> to vector<32x1xi32>
    %reshape3A_861 = vector.shape_cast %floor3A_846 : vector<32x1x1xf32> to vector<32x1xf32>
    %convert_element_type3A_862 = arith.fptosi %reshape3A_861 : vector<32x1xf32> to vector<32x1xi32>
    %iota3A_863 = tpu.iota {dimensions = array<i32: 1>} : vector<32x64xi32>
    %eq3A_864 = vector.broadcast %convert_element_type3A_860 : vector<32x1xi32> to vector<32x64xi32>
    %eq3A_865 = arith.cmpi eq, %iota3A_863, %eq3A_864 : vector<32x64xi32>
    %convert_element_type3A_866 = arith.extui %eq3A_865 : vector<32x64xi1> to vector<32x64xi32>
    %convert_element_type3A_867 = arith.sitofp %convert_element_type3A_866 : vector<32x64xi32> to vector<32x64xf32>
    %iota3A_868 = tpu.iota {dimensions = array<i32: 1>} : vector<32x128xi32>
    %eq3A_869 = vector.broadcast %convert_element_type3A_862 : vector<32x1xi32> to vector<32x128xi32>
    %eq3A_870 = arith.cmpi eq, %iota3A_868, %eq3A_869 : vector<32x128xi32>
    %convert_element_type3A_871 = arith.extui %eq3A_870 : vector<32x128xi1> to vector<32x128xi32>
    %convert_element_type3A_872 = arith.sitofp %convert_element_type3A_871 : vector<32x128xi32> to vector<32x128xf32>
    %dot_general3A_873 = arith.constant dense<0.000000e+00> : vector<32x64xf32>
    %dot_general3A_874 = tpu.matmul %convert_element_type3A_867, %get3A_5, %dot_general3A_873 {dimension_numbers = #tpu.dot_dimension_numbers<[1], [0], [0], [1], [0, 0, 1, 1], [], []>, precision = #tpu.contract_precision<fp32>, transpose_lhs_hint = false} : vector<32x64xf32>, vector<64x64xf32>, vector<32x64xf32> -> vector<32x64xf32>
    %dot_general3A_875 = arith.constant dense<0.000000e+00> : vector<32x64xf32>
    %dot_general3A_876 = tpu.matmul %convert_element_type3A_867, %get3A_8, %dot_general3A_875 {dimension_numbers = #tpu.dot_dimension_numbers<[1], [0], [0], [1], [0, 0, 1, 1], [], []>, precision = #tpu.contract_precision<fp32>, transpose_lhs_hint = false} : vector<32x64xf32>, vector<64x64xf32>, vector<32x64xf32> -> vector<32x64xf32>
    %dot_general3A_877 = arith.constant dense<0.000000e+00> : vector<32x256xf32>
    %dot_general3A_878 = tpu.matmul %convert_element_type3A_867, %get3A_26, %dot_general3A_877 {dimension_numbers = #tpu.dot_dimension_numbers<[1], [0], [0], [1], [0, 0, 1, 1], [], []>, precision = #tpu.contract_precision<fp32>, transpose_lhs_hint = false} : vector<32x64xf32>, vector<64x256xf32>, vector<32x256xf32> -> vector<32x256xf32>
    %slice3A_879 = vector.extract_strided_slice %dot_general3A_878 {offsets = [0, 0], sizes = [32, 128], strides = [1, 1]} : vector<32x256xf32> to vector<32x128xf32>
    %slice3A_880 = vector.extract_strided_slice %dot_general3A_878 {offsets = [0, 128], sizes = [32, 128], strides = [1, 1]} : vector<32x256xf32> to vector<32x128xf32>
    %dot_general3A_881 = arith.constant dense<0.000000e+00> : vector<32x256xf32>
    %dot_general3A_882 = tpu.matmul %convert_element_type3A_872, %get3A_23, %dot_general3A_881 {dimension_numbers = #tpu.dot_dimension_numbers<[1], [0], [0], [1], [0, 0, 1, 1], [], []>, precision = #tpu.contract_precision<fp32>, transpose_lhs_hint = false} : vector<32x128xf32>, vector<128x256xf32>, vector<32x256xf32> -> vector<32x256xf32>
    %slice3A_883 = vector.extract_strided_slice %dot_general3A_882 {offsets = [0, 0], sizes = [32, 128], strides = [1, 1]} : vector<32x256xf32> to vector<32x128xf32>
    %slice3A_884 = vector.extract_strided_slice %dot_general3A_882 {offsets = [0, 128], sizes = [32, 128], strides = [1, 1]} : vector<32x256xf32> to vector<32x128xf32>
    %mul3A_885 = arith.mulf %slice3A_879, %slice3A_883 : vector<32x128xf32>
    %mul3A_886 = arith.mulf %slice3A_880, %slice3A_884 : vector<32x128xf32>
    %sub3A_887 = arith.subf %mul3A_885, %mul3A_886 : vector<32x128xf32>
    %mul3A_888 = arith.mulf %slice3A_879, %slice3A_884 : vector<32x128xf32>
    %mul3A_889 = arith.mulf %slice3A_880, %slice3A_883 : vector<32x128xf32>
    %add3A_890 = arith.addf %mul3A_888, %mul3A_889 : vector<32x128xf32>
    %mul3A_891 = arith.constant 1.22070313E-4 : f32
    %mul3A_892 = vector.broadcast %mul3A_891 : f32 to vector<32x1x1xf32>
    %mul3A_893 = arith.mulf %select_n3A_858, %mul3A_892 : vector<32x1x1xf32>
    %reshape3A_894 = vector.shape_cast %mul3A_893 : vector<32x1x1xf32> to vector<32x1xf32>
    %reshape3A_895 = vector.shape_cast %add3A_825 : vector<32x1x1xf32> to vector<32x1xf32>
    %reshape3A_896 = vector.shape_cast %add3A_832 : vector<32x1x1xf32> to vector<32x1xf32>
    %mul3A_897 = vector.broadcast %reshape3A_895 : vector<32x1xf32> to vector<32x64xf32>
    %mul3A_898 = arith.mulf %mul3A_897, %dot_general3A_874 : vector<32x64xf32>
    %mul3A_899 = vector.broadcast %reshape3A_896 : vector<32x1xf32> to vector<32x64xf32>
    %mul3A_900 = arith.mulf %mul3A_899, %dot_general3A_876 : vector<32x64xf32>
    %sub3A_901 = arith.subf %mul3A_898, %mul3A_900 : vector<32x64xf32>
    %mul3A_902 = vector.broadcast %reshape3A_894 : vector<32x1xf32> to vector<32x64xf32>
    %mul3A_903 = arith.mulf %mul3A_902, %sub3A_901 : vector<32x64xf32>
    %mul3A_904 = vector.broadcast %reshape3A_895 : vector<32x1xf32> to vector<32x64xf32>
    %mul3A_905 = arith.mulf %mul3A_904, %dot_general3A_876 : vector<32x64xf32>
    %mul3A_906 = vector.broadcast %reshape3A_896 : vector<32x1xf32> to vector<32x64xf32>
    %mul3A_907 = arith.mulf %mul3A_906, %dot_general3A_874 : vector<32x64xf32>
    %add3A_908 = arith.addf %mul3A_905, %mul3A_907 : vector<32x64xf32>
    %mul3A_909 = vector.broadcast %reshape3A_894 : vector<32x1xf32> to vector<32x64xf32>
    %mul3A_910 = arith.mulf %mul3A_909, %add3A_908 : vector<32x64xf32>
    %broadcast_in_dim3A_911 = vector.shape_cast %mul3A_903 : vector<32x64xf32> to vector<32x64x1xf32>
    %broadcast_in_dim3A_912 = vector.shape_cast %sub3A_887 : vector<32x128xf32> to vector<32x1x128xf32>
    %mul3A_913 = vector.broadcast %broadcast_in_dim3A_911 : vector<32x64x1xf32> to vector<32x64x128xf32>
    %mul3A_914 = vector.broadcast %broadcast_in_dim3A_912 : vector<32x1x128xf32> to vector<32x64x128xf32>
    %mul3A_915 = arith.mulf %mul3A_913, %mul3A_914 : vector<32x64x128xf32>
    %add3A_916 = arith.addf %sub3A_797, %mul3A_915 : vector<32x64x128xf32>
    %broadcast_in_dim3A_917 = vector.shape_cast %mul3A_910 : vector<32x64xf32> to vector<32x64x1xf32>
    %broadcast_in_dim3A_918 = vector.shape_cast %add3A_890 : vector<32x128xf32> to vector<32x1x128xf32>
    %mul3A_919 = vector.broadcast %broadcast_in_dim3A_917 : vector<32x64x1xf32> to vector<32x64x128xf32>
    %mul3A_920 = vector.broadcast %broadcast_in_dim3A_918 : vector<32x1x128xf32> to vector<32x64x128xf32>
    %mul3A_921 = arith.mulf %mul3A_919, %mul3A_920 : vector<32x64x128xf32>
    %sub3A_922 = arith.subf %add3A_916, %mul3A_921 : vector<32x64x128xf32>
    %gt3A_923 = arith.constant 0.000000e+00 : f32
    %gt3A_924 = vector.broadcast %gt3A_923 : f32 to vector<32x64x64xf32>
    %gt3A_925 = arith.cmpf ogt, %convert_element_type3A_816, %gt3A_924 : vector<32x64x64xf32>
    %jit3A_926 = arith.constant -1.000000e+00 : f32
    %broadcast_in_dim3A_927 = vector.broadcast %jit3A_926 : f32 to vector<32x64x64xf32>
    %select_n3A_928 = arith.select %gt3A_925, %broadcast_in_dim3A_927, %select_n3A_803 : vector<32x64x64xi1>, vector<32x64x64xf32>
    %reduce_max3A_929 = arith.constant dense<0xFF800000> : vector<32xf32>
    %reduce_max3A_930 = vector.multi_reduction <maximumf>, %select_n3A_928, %reduce_max3A_929 [1, 2] : vector<32x64x64xf32> to vector<32xf32>
    %broadcast_in_dim3A_931 = vector.shape_cast %reduce_max3A_930 : vector<32xf32> to vector<32x1x1xf32>
    %jit3A_932 = arith.constant -1.000000e+00 : f32
    %broadcast_in_dim3A_933 = vector.broadcast %jit3A_932 : f32 to vector<32x1x1xf32>
    %select_n3A_934 = arith.select %or3A_811, %broadcast_in_dim3A_933, %reshape3A_421 : vector<32x1x1xi1>, vector<32x1x1xf32>
    %gt3A_935 = arith.cmpf ogt, %select_n3A_934, %broadcast_in_dim3A_931 : vector<32x1x1xf32>
    %select_n3A_936 = arith.select %gt3A_935, %select_n3A_934, %broadcast_in_dim3A_931 : vector<32x1x1xi1>, vector<32x1x1xf32>
    %eq3A_937 = vector.broadcast %select_n3A_936 : vector<32x1x1xf32> to vector<32x64x64xf32>
    %eq3A_938 = arith.cmpf oeq, %select_n3A_928, %eq3A_937 : vector<32x64x64xf32>
    %convert_element_type3A_939 = arith.extui %eq3A_938 : vector<32x64x64xi1> to vector<32x64x64xi32>
    %convert_element_type3A_940 = arith.sitofp %convert_element_type3A_939 : vector<32x64x64xi32> to vector<32x64x64xf32>
    %convert_element_type3A_941 = arith.extui %gt3A_935 : vector<32x1x1xi1> to vector<32x1x1xi32>
    %convert_element_type3A_942 = arith.sitofp %convert_element_type3A_941 : vector<32x1x1xi32> to vector<32x1x1xf32>
    %mul3A_943 = arith.mulf %convert_element_type3A_940, %reshape3A_403 : vector<32x64x64xf32>
    %reduce_sum3A_944 = arith.constant dense<0.000000e+00> : vector<32xf32>
    %reduce_sum3A_945 = vector.multi_reduction <add>, %mul3A_943, %reduce_sum3A_944 [1, 2] : vector<32x64x64xf32> to vector<32xf32>
    %broadcast_in_dim3A_946 = vector.shape_cast %reduce_sum3A_945 : vector<32xf32> to vector<32x1x1xf32>
    %broadcast_in_dim3A_947 = vector.shape_cast %broadcast_in_dim3A_410 : vector<32x1xf32> to vector<32x1x1xf32>
    %mul3A_948 = arith.mulf %convert_element_type3A_942, %broadcast_in_dim3A_947 : vector<32x1x1xf32>
    %add3A_949 = arith.addf %broadcast_in_dim3A_946, %mul3A_948 : vector<32x1x1xf32>
    %mul3A_950 = arith.mulf %convert_element_type3A_940, %reshape3A_404 : vector<32x64x64xf32>
    %reduce_sum3A_951 = arith.constant dense<0.000000e+00> : vector<32xf32>
    %reduce_sum3A_952 = vector.multi_reduction <add>, %mul3A_950, %reduce_sum3A_951 [1, 2] : vector<32x64x64xf32> to vector<32xf32>
    %broadcast_in_dim3A_953 = vector.shape_cast %reduce_sum3A_952 : vector<32xf32> to vector<32x1x1xf32>
    %broadcast_in_dim3A_954 = vector.shape_cast %broadcast_in_dim3A_417 : vector<32x1xf32> to vector<32x1x1xf32>
    %mul3A_955 = arith.mulf %convert_element_type3A_942, %broadcast_in_dim3A_954 : vector<32x1x1xf32>
    %add3A_956 = arith.addf %broadcast_in_dim3A_953, %mul3A_955 : vector<32x1x1xf32>
    %broadcast_in_dim3A_957 = vector.shape_cast %get3A_17 : vector<64x64xf32> to vector<1x64x64xf32>
    %mul3A_958 = vector.broadcast %broadcast_in_dim3A_957 : vector<1x64x64xf32> to vector<32x64x64xf32>
    %mul3A_959 = arith.mulf %convert_element_type3A_940, %mul3A_958 : vector<32x64x64xf32>
    %reduce_sum3A_960 = arith.constant dense<0.000000e+00> : vector<32xf32>
    %reduce_sum3A_961 = vector.multi_reduction <add>, %mul3A_959, %reduce_sum3A_960 [1, 2] : vector<32x64x64xf32> to vector<32xf32>
    %broadcast_in_dim3A_962 = vector.shape_cast %reduce_sum3A_961 : vector<32xf32> to vector<32x1x1xf32>
    %mul3A_963 = arith.constant 4.096000e+03 : f32
    %mul3A_964 = vector.broadcast %mul3A_963 : f32 to vector<32x1x1xf32>
    %mul3A_965 = arith.mulf %convert_element_type3A_942, %mul3A_964 : vector<32x1x1xf32>
    %add3A_966 = arith.addf %broadcast_in_dim3A_962, %mul3A_965 : vector<32x1x1xf32>
    %mul3A_967 = arith.constant 1.562500e-02 : f32
    %mul3A_968 = vector.broadcast %mul3A_967 : f32 to vector<32x1x1xf32>
    %mul3A_969 = arith.mulf %add3A_966, %mul3A_968 : vector<32x1x1xf32>
    %floor3A_970 = math.floor %mul3A_969 : vector<32x1x1xf32>
    %mul3A_971 = arith.constant 6.400000e+01 : f32
    %mul3A_972 = vector.broadcast %mul3A_971 : f32 to vector<32x1x1xf32>
    %mul3A_973 = arith.mulf %mul3A_972, %floor3A_970 : vector<32x1x1xf32>
    %sub3A_974 = arith.subf %add3A_966, %mul3A_973 : vector<32x1x1xf32>
    %eq3A_975 = arith.constant 4.096000e+03 : f32
    %eq3A_976 = vector.broadcast %eq3A_975 : f32 to vector<32x1x1xf32>
    %eq3A_977 = arith.cmpf oeq, %add3A_966, %eq3A_976 : vector<32x1x1xf32>
    %jit3A_978 = arith.constant 1.000000e+00 : f32
    %jit3A_979 = arith.constant 2.000000e+00 : f32
    %broadcast_in_dim3A_980 = vector.broadcast %jit3A_978 : f32 to vector<32x1x1xf32>
    %broadcast_in_dim3A_981 = vector.broadcast %jit3A_979 : f32 to vector<32x1x1xf32>
    %select_n3A_982 = arith.select %eq3A_977, %broadcast_in_dim3A_980, %broadcast_in_dim3A_981 : vector<32x1x1xi1>, vector<32x1x1xf32>
    %reshape3A_983 = vector.shape_cast %sub3A_974 : vector<32x1x1xf32> to vector<32x1xf32>
    %convert_element_type3A_984 = arith.fptosi %reshape3A_983 : vector<32x1xf32> to vector<32x1xi32>
    %reshape3A_985 = vector.shape_cast %floor3A_970 : vector<32x1x1xf32> to vector<32x1xf32>
    %convert_element_type3A_986 = arith.fptosi %reshape3A_985 : vector<32x1xf32> to vector<32x1xi32>
    %iota3A_987 = tpu.iota {dimensions = array<i32: 1>} : vector<32x64xi32>
    %eq3A_988 = vector.broadcast %convert_element_type3A_984 : vector<32x1xi32> to vector<32x64xi32>
    %eq3A_989 = arith.cmpi eq, %iota3A_987, %eq3A_988 : vector<32x64xi32>
    %convert_element_type3A_990 = arith.extui %eq3A_989 : vector<32x64xi1> to vector<32x64xi32>
    %convert_element_type3A_991 = arith.sitofp %convert_element_type3A_990 : vector<32x64xi32> to vector<32x64xf32>
    %iota3A_992 = tpu.iota {dimensions = array<i32: 1>} : vector<32x128xi32>
    %eq3A_993 = vector.broadcast %convert_element_type3A_986 : vector<32x1xi32> to vector<32x128xi32>
    %eq3A_994 = arith.cmpi eq, %iota3A_992, %eq3A_993 : vector<32x128xi32>
    %convert_element_type3A_995 = arith.extui %eq3A_994 : vector<32x128xi1> to vector<32x128xi32>
    %convert_element_type3A_996 = arith.sitofp %convert_element_type3A_995 : vector<32x128xi32> to vector<32x128xf32>
    %dot_general3A_997 = arith.constant dense<0.000000e+00> : vector<32x64xf32>
    %dot_general3A_998 = tpu.matmul %convert_element_type3A_991, %get3A_5, %dot_general3A_997 {dimension_numbers = #tpu.dot_dimension_numbers<[1], [0], [0], [1], [0, 0, 1, 1], [], []>, precision = #tpu.contract_precision<fp32>, transpose_lhs_hint = false} : vector<32x64xf32>, vector<64x64xf32>, vector<32x64xf32> -> vector<32x64xf32>
    %dot_general3A_999 = arith.constant dense<0.000000e+00> : vector<32x64xf32>
    %dot_general3A_1000 = tpu.matmul %convert_element_type3A_991, %get3A_8, %dot_general3A_999 {dimension_numbers = #tpu.dot_dimension_numbers<[1], [0], [0], [1], [0, 0, 1, 1], [], []>, precision = #tpu.contract_precision<fp32>, transpose_lhs_hint = false} : vector<32x64xf32>, vector<64x64xf32>, vector<32x64xf32> -> vector<32x64xf32>
    %dot_general3A_1001 = arith.constant dense<0.000000e+00> : vector<32x256xf32>
    %dot_general3A_1002 = tpu.matmul %convert_element_type3A_991, %get3A_26, %dot_general3A_1001 {dimension_numbers = #tpu.dot_dimension_numbers<[1], [0], [0], [1], [0, 0, 1, 1], [], []>, precision = #tpu.contract_precision<fp32>, transpose_lhs_hint = false} : vector<32x64xf32>, vector<64x256xf32>, vector<32x256xf32> -> vector<32x256xf32>
    %slice3A_1003 = vector.extract_strided_slice %dot_general3A_1002 {offsets = [0, 0], sizes = [32, 128], strides = [1, 1]} : vector<32x256xf32> to vector<32x128xf32>
    %slice3A_1004 = vector.extract_strided_slice %dot_general3A_1002 {offsets = [0, 128], sizes = [32, 128], strides = [1, 1]} : vector<32x256xf32> to vector<32x128xf32>
    %dot_general3A_1005 = arith.constant dense<0.000000e+00> : vector<32x256xf32>
    %dot_general3A_1006 = tpu.matmul %convert_element_type3A_996, %get3A_23, %dot_general3A_1005 {dimension_numbers = #tpu.dot_dimension_numbers<[1], [0], [0], [1], [0, 0, 1, 1], [], []>, precision = #tpu.contract_precision<fp32>, transpose_lhs_hint = false} : vector<32x128xf32>, vector<128x256xf32>, vector<32x256xf32> -> vector<32x256xf32>
    %slice3A_1007 = vector.extract_strided_slice %dot_general3A_1006 {offsets = [0, 0], sizes = [32, 128], strides = [1, 1]} : vector<32x256xf32> to vector<32x128xf32>
    %slice3A_1008 = vector.extract_strided_slice %dot_general3A_1006 {offsets = [0, 128], sizes = [32, 128], strides = [1, 1]} : vector<32x256xf32> to vector<32x128xf32>
    %mul3A_1009 = arith.mulf %slice3A_1003, %slice3A_1007 : vector<32x128xf32>
    %mul3A_1010 = arith.mulf %slice3A_1004, %slice3A_1008 : vector<32x128xf32>
    %sub3A_1011 = arith.subf %mul3A_1009, %mul3A_1010 : vector<32x128xf32>
    %mul3A_1012 = arith.mulf %slice3A_1003, %slice3A_1008 : vector<32x128xf32>
    %mul3A_1013 = arith.mulf %slice3A_1004, %slice3A_1007 : vector<32x128xf32>
    %add3A_1014 = arith.addf %mul3A_1012, %mul3A_1013 : vector<32x128xf32>
    %mul3A_1015 = arith.constant 1.22070313E-4 : f32
    %mul3A_1016 = vector.broadcast %mul3A_1015 : f32 to vector<32x1x1xf32>
    %mul3A_1017 = arith.mulf %select_n3A_982, %mul3A_1016 : vector<32x1x1xf32>
    %reshape3A_1018 = vector.shape_cast %mul3A_1017 : vector<32x1x1xf32> to vector<32x1xf32>
    %reshape3A_1019 = vector.shape_cast %add3A_949 : vector<32x1x1xf32> to vector<32x1xf32>
    %reshape3A_1020 = vector.shape_cast %add3A_956 : vector<32x1x1xf32> to vector<32x1xf32>
    %mul3A_1021 = vector.broadcast %reshape3A_1019 : vector<32x1xf32> to vector<32x64xf32>
    %mul3A_1022 = arith.mulf %mul3A_1021, %dot_general3A_998 : vector<32x64xf32>
    %mul3A_1023 = vector.broadcast %reshape3A_1020 : vector<32x1xf32> to vector<32x64xf32>
    %mul3A_1024 = arith.mulf %mul3A_1023, %dot_general3A_1000 : vector<32x64xf32>
    %sub3A_1025 = arith.subf %mul3A_1022, %mul3A_1024 : vector<32x64xf32>
    %mul3A_1026 = vector.broadcast %reshape3A_1018 : vector<32x1xf32> to vector<32x64xf32>
    %mul3A_1027 = arith.mulf %mul3A_1026, %sub3A_1025 : vector<32x64xf32>
    %mul3A_1028 = vector.broadcast %reshape3A_1019 : vector<32x1xf32> to vector<32x64xf32>
    %mul3A_1029 = arith.mulf %mul3A_1028, %dot_general3A_1000 : vector<32x64xf32>
    %mul3A_1030 = vector.broadcast %reshape3A_1020 : vector<32x1xf32> to vector<32x64xf32>
    %mul3A_1031 = arith.mulf %mul3A_1030, %dot_general3A_998 : vector<32x64xf32>
    %add3A_1032 = arith.addf %mul3A_1029, %mul3A_1031 : vector<32x64xf32>
    %mul3A_1033 = vector.broadcast %reshape3A_1018 : vector<32x1xf32> to vector<32x64xf32>
    %mul3A_1034 = arith.mulf %mul3A_1033, %add3A_1032 : vector<32x64xf32>
    %broadcast_in_dim3A_1035 = vector.shape_cast %mul3A_1027 : vector<32x64xf32> to vector<32x64x1xf32>
    %broadcast_in_dim3A_1036 = vector.shape_cast %sub3A_1011 : vector<32x128xf32> to vector<32x1x128xf32>
    %mul3A_1037 = vector.broadcast %broadcast_in_dim3A_1035 : vector<32x64x1xf32> to vector<32x64x128xf32>
    %mul3A_1038 = vector.broadcast %broadcast_in_dim3A_1036 : vector<32x1x128xf32> to vector<32x64x128xf32>
    %mul3A_1039 = arith.mulf %mul3A_1037, %mul3A_1038 : vector<32x64x128xf32>
    %add3A_1040 = arith.addf %sub3A_922, %mul3A_1039 : vector<32x64x128xf32>
    %broadcast_in_dim3A_1041 = vector.shape_cast %mul3A_1034 : vector<32x64xf32> to vector<32x64x1xf32>
    %broadcast_in_dim3A_1042 = vector.shape_cast %add3A_1014 : vector<32x128xf32> to vector<32x1x128xf32>
    %mul3A_1043 = vector.broadcast %broadcast_in_dim3A_1041 : vector<32x64x1xf32> to vector<32x64x128xf32>
    %mul3A_1044 = vector.broadcast %broadcast_in_dim3A_1042 : vector<32x1x128xf32> to vector<32x64x128xf32>
    %mul3A_1045 = arith.mulf %mul3A_1043, %mul3A_1044 : vector<32x64x128xf32>
    %sub3A_1046 = arith.subf %add3A_1040, %mul3A_1045 : vector<32x64x128xf32>
    %swap3A = arith.constant 0 : index
    %swap3A_1047 = arith.constant 0 : index
    %swap3A_1048 = arith.constant 0 : index
    %swap3A_1049 = vector.load %arg12[%swap3A, %swap3A_1047, %swap3A_1048] : memref<32x64x128xf32, #tpu.memory_space<vmem>>, vector<32x64x128xf32>
    tpu.vector_store %arg12[%swap3A, %swap3A_1047, %swap3A_1048], %sub3A_1046 {strides = array<i32>} : memref<32x64x128xf32, #tpu.memory_space<vmem>>, vector<32x64x128xf32>,
    %sub3A_1050 = arith.subf %get3A_2, %sub3A_1046 : vector<32x64x128xf32>
    %swap3A_1051 = arith.constant 0 : index
    %swap3A_1052 = arith.constant 0 : index
    %swap3A_1053 = arith.constant 0 : index
    %swap3A_1054 = vector.load %arg13[%swap3A_1051, %swap3A_1052, %swap3A_1053] : memref<32x64x128xf32, #tpu.memory_space<vmem>>, vector<32x64x128xf32>
    tpu.vector_store %arg13[%swap3A_1051, %swap3A_1052, %swap3A_1053], %sub3A_1050 {strides = array<i32>} : memref<32x64x128xf32, #tpu.memory_space<vmem>>, vector<32x64x128xf32>,
    return
  }
  func.func @transform_0(%arg0: i32) -> (i32, i32, i32) {
    %c0_i32 = arith.constant 0 : i32
    %c0_i32_0 = arith.constant 0 : i32
    %c0_i32_1 = arith.constant 0 : i32
    return %arg0, %c0_i32, %c0_i32_0 : i32, i32, i32
  }
  func.func @transform_1(%arg0: i32) -> (i32, i32) {
    %c0_i32 = arith.constant 0 : i32
    %c0_i32_0 = arith.constant 0 : i32
    %c0_i32_1 = arith.constant 0 : i32
    return %c0_i32, %c0_i32_0 : i32, i32
  }
  func.func @transform_2(%arg0: i32) -> (i32, i32) {
    %c0_i32 = arith.constant 0 : i32
    %c0_i32_0 = arith.constant 0 : i32
    %c0_i32_1 = arith.constant 0 : i32
    return %c0_i32, %c0_i32_0 : i32, i32
  }
  func.func @transform_3(%arg0: i32) -> (i32, i32) {
    %c0_i32 = arith.constant 0 : i32
    %c0_i32_0 = arith.constant 0 : i32
    %c0_i32_1 = arith.constant 0 : i32
    return %c0_i32, %c0_i32_0 : i32, i32
  }
  func.func @transform_4(%arg0: i32) -> (i32, i32) {
    %c0_i32 = arith.constant 0 : i32
    %c0_i32_0 = arith.constant 0 : i32
    %c0_i32_1 = arith.constant 0 : i32
    return %c0_i32, %c0_i32_0 : i32, i32
  }
  func.func @transform_5(%arg0: i32) -> (i32, i32) {
    %c0_i32 = arith.constant 0 : i32
    %c0_i32_0 = arith.constant 0 : i32
    %c0_i32_1 = arith.constant 0 : i32
    return %c0_i32, %c0_i32_0 : i32, i32
  }
  func.func @transform_6(%arg0: i32) -> (i32, i32) {
    %c0_i32 = arith.constant 0 : i32
    %c0_i32_0 = arith.constant 0 : i32
    %c0_i32_1 = arith.constant 0 : i32
    return %c0_i32, %c0_i32_0 : i32, i32
  }
  func.func @transform_7(%arg0: i32) -> (i32, i32) {
    %c0_i32 = arith.constant 0 : i32
    %c0_i32_0 = arith.constant 0 : i32
    %c0_i32_1 = arith.constant 0 : i32
    return %c0_i32, %c0_i32_0 : i32, i32
  }
  func.func @transform_8(%arg0: i32) -> (i32, i32) {
    %c0_i32 = arith.constant 0 : i32
    %c0_i32_0 = arith.constant 0 : i32
    %c0_i32_1 = arith.constant 0 : i32
    return %c0_i32, %c0_i32_0 : i32, i32
  }
  func.func @transform_9(%arg0: i32) -> (i32, i32) {
    %c0_i32 = arith.constant 0 : i32
    %c0_i32_0 = arith.constant 0 : i32
    %c0_i32_1 = arith.constant 0 : i32
    return %c0_i32, %c0_i32_0 : i32, i32
  }
  func.func @transform_10(%arg0: i32) -> (i32, i32) {
    %c0_i32 = arith.constant 0 : i32
    %c0_i32_0 = arith.constant 0 : i32
    %c0_i32_1 = arith.constant 0 : i32
    return %c0_i32, %c0_i32_0 : i32, i32
  }
  func.func @transform_11(%arg0: i32) -> (i32, i32, i32) {
    %c0_i32 = arith.constant 0 : i32
    %c0_i32_0 = arith.constant 0 : i32
    %c0_i32_1 = arith.constant 0 : i32
    return %arg0, %c0_i32, %c0_i32_0 : i32, i32, i32
  }
  func.func @transform_12(%arg0: i32) -> (i32, i32, i32) {
    %c0_i32 = arith.constant 0 : i32
    %c0_i32_0 = arith.constant 0 : i32
    %c0_i32_1 = arith.constant 0 : i32
    return %arg0, %c0_i32, %c0_i32_0 : i32, i32, i32
  }
}

</mosaic_0001>

<sc_bundles>
// kernel: sparse-core-data-format-call.cloned.1.call-start
scs
called_computation_lowered:
.L_overlay_start_0:
0x0: {  	s2 =	sld [smem:$0x3FD9]  }
0x1: {  	s3 =	sld [smem:$0x3FFE];
	_ =	sdelay $0x1  }
0x2: {  	s1 =	srdreg.scid  }
0x3: {  	s0 =	sand.u32 $0x1, s1  }
0x4: {  	s16 =	sshll.u32 s0, $0xA;
	s2 =	sadd.s32 s3, s2  }
0x5: {  	s2 =	sadd.s32 s2, s16  }
0x6: {  	[smem:$0x3FC7] =	sst s2  }
0x7: {  	_ = 	snop  }
0x8: {  	s2 =	sld [smem:$0x3FD0];
	_ =	sdelay $0x2  }
0x9: {  	s4 =	simm.s32 $0xA;
	s5 =	simm.s32 $0x10;
	s17 =	sld [smem:$0x3FC9]  }
0xa: {  	[smem:s5], [sflag:s4] =	dma.local [hbm:s2], $0x1  }
0xb: {  	_ =	swait.eq [sflag:s4], $0x1  }
0xc: {  	[sflag:s4] =	ssyncset.done $0x0  }
0xd: {  	[sflag:s4] =	ssyncadd.s32 $0xFFFFFFFF  }
0xe: {  	s18 =	sld [smem:$0x10];
	(tm) =	ssettm $0x1  }
0xf: {  	s19 =	sld [smem:$0x3FFB];
	_ =	sdelay $0x3  }
0x10: {  	_ =	strace s19  }
0x11: {  	s4 =	sld [smem:$0x3FFC];
	_ =	sdelay $0x3  }
0x12: {  	_ =	strace s4  }
0x13: {  	s4 =	sld [smem:$0x3FFD];
	_ =	sdelay $0x3  }
0x14: {  	_ =	strace s4  }
0x15: {  	_ =	strace $0x8FFFFFFF  }
0x16: {  	s20 =	sld [smem:$0x3FDB];
	_ =	sdelay $0x1  }
0x17: {  	s21 =	simm.s32 $_scs_section_size  }
0x18: {  	s6 =	simm.s32 $_size__tile_overlayer_lowered;
	s7 =	simm.s32 $_tile_overlayer_lowered  }
0x19: {  	s24 =	simm.s32 $0x1BFF;
	s23 =	sshll.u32 s7, $0x1;
	s4 =	sadd.s32 s21, s20  }
0x1a: {  	s8 =	simm.s32 $0x0;
	s22 =	sshll.u32 s6, $0x1;
	s6 =	sadd.s32 s23, s4  }
0x1b: {  	[timem:s8], [sflag:s24] =	dma.local [hbm:s6], s22  }
0x1c: {  	_ =	swait.ge [sflag:s24], s22  }
0x1d: {  	s5 =	ssub.s32 $0x0, s22;
	[sflag:s24] =	ssyncset.done $0x0  }
0x1e: {  	[sflag:s24] =	ssyncadd.s32 s5;
	_ =	sdelay $0x1  }
0x1f: {  	s25 =	simm.s32 $0x1B8B  }
0x20: {  	_ =	swait.ge [sflag:s25], $0x1  }
0x21: {  	[sflag:s25] =	ssyncset.done $0x0  }
0x22: {  	s26 =	simm.s32 $0x1B8E;
	[sflag:s25] =	ssyncadd.s32 $0xFFFFFFFF  }
0x23: {  	s27 =	simm.s32 $execute0_lowered;
	[smem:$0x3FD2] =	sst s26  }
0x24: {  	s5 =	sshll.u32 s27, $0x1;
	_ =	strace $0x80000046;
	[dreg:$0x1] =	wrdreg $0xFFFFFFFF  }
0x25: {  	s28 =	simm.s32 $_size_execute0_lowered;
	s4 =	sadd.s32 s4, s5;
	[dreg:$0x0] =	wrdreg $0x0  }
0x26: {  	s5 =	sshll.u32 s28, $0x1;
	[dreg:$0x2] =	wrdreg s4  }
0x27: {  	[dreg:$0x3] =	wrdreg s5  }
0x28: {  	[dreg:$0x4] =	wrdreg $0xC0  }
0x29: {  	_ =	task [dreg:s8], $0x5FFFF  }
0x2a: {  	[dreg:$0x1] =	wrdreg $0xFFFFFFFF  }
0x2b: {  	[dreg:$0x0] =	wrdreg $0x60  }
0x2c: {  	[dreg:$0x2] =	wrdreg s17  }
0x2d: {  	[dreg:$0x3] =	wrdreg s18  }
0x2e: {  	[dreg:$0x4] =	wrdreg $0x9  }
0x2f: {  	_ =	task.clear_ibuf [dreg:s8], $0x5FFFF;
	_ =	strace $0x90000046  }
0x30: {  	s29 =	simm.s32 $0x9;
	_ =	strace $0x80000048  }
0x31: {  	_ =	swait.ge [sflag:s29], $0x1  }
0x32: {  	[sflag:s29] =	ssyncadd.s32 $0xFFFFFFFF  }
0x33: {  	_ =	strace $0x90000048  }
0x34: {  	_ =	sfence  }
0x35: {  	s30 =	sld [smem:$0x0];
	_ =	sdelay $0x2  }
0x36: {  	s31 =	sshll.u32 s1, $0xD;
	s1 =	sshrl.u32 s1, $0x2  }
0x37: {  	s3 =	sand.u32 $0x4000, s31;
	s1 =	sadd.s32 s1, s30  }
0x38: {  	s0 =	sor.u32 s3, s0;
	s1 =	sshll.u32 s1, $0x11  }
0x39: {  	s0 =	sor.u32 s1, s0  }
0x3a: {  	s0 =	sadd.s32 $0x8F2B, s0  }
0x3b: {  	[sflag:s0] =	ssyncadd.remote.s32 $0x1  }
0x3c: {  	_ =	sfence.sel $0xFFFF  }
0x3d: {  	[dreg:$0x0] =	wrdreg $0xFFFFFFFF;
	(pc) =	sbr.abs _section_cstart, $3  }
0x3e: {  	[dreg:$0x1] =	wrdreg $0xFFFFFFFF  }
0x3f: {  	_ =	task.clear_ibuf [dreg:s8], $0x2FFFF;
	_ =	strace $0x9FFFFFFF  }
0x40: {  	(tm) =	ssettm $0x7FFFFFFF  }
0x41: {  	_ =	shalt  }
tec
execute0_lowered:
.L_overlay_start_1:
0x0: {  	(tag) =	ssettag $0x1  }
0x1: {  	s2 =	rddreg [dreg:$0x0]  }
0x2: {  	s3 =	rddreg [dreg:$0x1]  }
0x3: {  	s0 =	rddreg [dreg:$0x2];
	_ =	strace $0x80000047  }
0x4: {  	s4 =	srdreg.scid;
	s1 =	stileid.u32;
	s6 =	simm.s32 $0x2  }
.Ltmp0:
0x5: {  	s11 =	simm.s32 $0x0;
	p0 =	por $0x0, $0x0;
	(pc) =	sbr.rel .LBB1_1-.Ltmp0, $4  }
0x6: {  	s7 =	simm.s32 $0x2000;
	s12 =	simm.s32 $0x0;
	s5 =	sshll.u32 s4, $0x4  }
0x7: {  	s9 =	simm.s32 $0x0;
	s4 =	simm.s32 $0x1;
	s5 =	sand.u32 $0x10, s5  }
0x8: {  	s8 =	simm.s32 $0x0;
	[sflag:s4] =	ssyncpa.u1 $0x0;
	s5 =	sor.u32 s1, s5  }
0x9: {  	[sflag:s6] =	ssyncpa.u1 $0x0;
	s6 =	simm.s32 $0x800;
	s10 =	smov.u32 s5  }
.LBB1_7:
0xa: {  	s13 =	sadd.s32 $0x10, s9  }
0xb: {  	s11 =	sadd.s32 $0x20, s10;
	s15 =	smov.u32 s10;
	p2 =	sgt.s32 s13, $0x3F  }
0xc: {  	p1 =	slt.u32 s8, $0x2;
	s15 =	smov.u32 @p2 s11  }
0xd: {  	s8 =	sadd.s32 $0x1, s8;
	s13 =	simm.s32 @p2 $0x0;
	p2 =	sgt.s32 s15, $0xFF  }
0xe: {  	s15 =	smov.u32 @p2 s5;
	p2 =	sne.s32 s8, $0x22  }
.Ltmp1:
0xf: {  	_ = 	snop;
	(pc) =	sbr.rel @!p2 .LBB1_8-.Ltmp1, $4  }
0x10: {  	s14 =	simm.s32 @!p1 $0x2  }
0x11: {  	s12 =	smov.u32 s10;
	_ =	swait.ge @!p1 [sflag:s14], $0x4000  }
0x12: {  	p0 =	por !p0, !p0;
	s11 =	smov.u32 s9;
	[sflag:s14] =	ssyncset.done @!p1 $0x0  }
0x13: {  	s9 =	smov.u32 s13;
	[sflag:s14] =	ssyncadd.s32 @!p1 $0xFFFFC000;
	s10 =	smov.u32 s15  }
.LBB1_1:
0x14: {  	p1 =	sgt.u32 s8, $0x1F  }
0x15: {  	s13 =	sxor.u32 @!p1 $0xFFFFFFFF, s8;
	s14 =	sshll.u32 @!p1 s10, $0xD  }
0x16: {  	s15 =	sshll.u32 @!p1 s9, $0x7;
	s13 =	sshll.u32 @!p1 s13, $0xE;
	s14 =	sadd.s32 @!p1 s2, s14  }
0x17: {  	s13 =	sand.u32 @!p1 $0x4000, s13;
	s14 =	sadd.s32 @!p1 s15, s14;
	s15 =	simm.s32 @!p1 $0x0  }
0x18: {  	[tilespmem:s13], [sflag:$0x1] =	stream.linear.gather @!p1 [hbm4b:s14+s15], $0x4000, $0x38;
	[tilespmem:$0x10000] =	vst v63  }
0x19: {  	p1 =	seq.s32 s8, $0x0  }
0x1a: {  	p2 =	seq.s32 @!p1 s8, $0x21  }
0x1b: {  	p1 =	por p1, p2  }
.Ltmp2:
0x1c: {  	_ = 	snop;
	(pc) =	sbr.rel @p1 .LBB1_7-.Ltmp2, $1  }
0x1d: {  	_ =	sdelay $0x3  }
0x1e: {  	s13 =	simm.s32 $0x1;
	_ =	swait.ge [sflag:s4], $0x4000;
	s16 =	sshll.u32 s8, $0xE  }
0x1f: {  	s13 =	simm.s32 @!p0 $0x0;
	[sflag:s4] =	ssyncset.done $0x0;
	s31 =	sand.u32 $0x4000, s16  }
0x20: {  	s16 =	simm.s32 $0x0;
	s14 =	sshll.u32 s13, $0xE;
	[sflag:s4] =	ssyncadd.s32 $0xFFFFC000  }
0x21: {  	s13 =	sor.u32 $0x8040, s14;
	s15 =	sor.u32 $0x40, s14;
	s14 =	sor.u32 $0x8000, s31  }
.LBB1_3:
0x22: {  	v0 =	vmov s15;
	_ =	sdelay $0x3  }
0x23: {  	s18 =	simm.s32 $0x0  }
0x24: {  	v6 =	vld.idx.msk [tilespmem:v0+s18+$0x30 ss:$0x1], $0xffff  }
0x25: {  	v7 =	vld.idx.msk [tilespmem:v0+s18+$0xFFFFFFC0 ss:$0x1], $0xffff  }
0x26: {  	v5 =	vld.idx.msk [tilespmem:v0+s18+$0xFFFFFFD0 ss:$0x1], $0xffff  }
0x27: {  	v4 =	vld.idx.msk [tilespmem:v0+s18+$0xFFFFFFE0 ss:$0x1], $0xffff  }
0x28: {  	v3 =	vld.idx.msk [tilespmem:v0+s18+$0xFFFFFFF0 ss:$0x1], $0xffff  }
0x29: {  	v1 =	vld.idx.msk [tilespmem:v0+s18+$0x0 ss:$0x1], $0xffff  }
0x2a: {  	v2 =	vld.idx.msk [tilespmem:v0+s18+$0x10 ss:$0x1], $0xffff;
	[tilespmem:s13+$0x30] =	vst v6  }
0x2b: {  	s17 =	simm.s32 $0x80;
	s19 =	simm.s32 $0x400;
	[tilespmem:s13+$0xFFFFFFC0] =	vst v7;
	v6 =	vld.idx.msk [tilespmem:v0+s18+$0x20 ss:$0x1], $0xffff;
	s18 =	smov.u32 s13  }
.LBB1_4:
0x2c: {  	p1 =	sne.s32 s19, $0xE00;
	v7 =	vld.idx.msk [tilespmem:v0+s17+$0x30 ss:$0x1], $0xffff;
	[tilespmem:s18+$0xFFFFFFD0] =	vst v5  }
0x2d: {  	v8 =	vld.idx.msk [tilespmem:v0+s17+$0xFFFFFFC0 ss:$0x1], $0xffff;
	[tilespmem:s18+$0xFFFFFFE0] =	vst v4  }
0x2e: {  	v5 =	vld.idx.msk [tilespmem:v0+s17+$0xFFFFFFD0 ss:$0x1], $0xffff;
	[tilespmem:s18+$0xFFFFFFF0] =	vst v3  }
.Ltmp3:
0x2f: {  	v4 =	vld.idx.msk [tilespmem:v0+s17+$0xFFFFFFE0 ss:$0x1], $0xffff;
	[tilespmem:s18+$0x0] =	vst v1;
	(pc) =	sbr.rel @p1 .LBB1_4-.Ltmp3, $4  }
0x30: {  	v3 =	vld.idx.msk [tilespmem:v0+s17+$0xFFFFFFF0 ss:$0x1], $0xffff;
	[tilespmem:s18+$0x10] =	vst v2  }
0x31: {  	v1 =	vld.idx.msk [tilespmem:v0+s17+$0x0 ss:$0x1], $0xffff;
	[tilespmem:s18+$0x20] =	vst v6;
	s18 =	sadd.s32 $0x800, s18  }
0x32: {  	v2 =	vld.idx.msk [tilespmem:v0+s17+$0x10 ss:$0x1], $0xffff;
	[tilespmem:s18+$0x30] =	vst v7  }
0x33: {  	[tilespmem:s18+$0xFFFFFFC0] =	vst v8;
	v6 =	vld.idx.msk [tilespmem:v0+s17+$0x20 ss:$0x1], $0xffff;
	s17 =	sshra.s32 s19, $0x2;
	s19 =	sadd.s32 $0x200, s19  }
0x34: {  	_ =	sdelay $0x2  }
0x35: {  	[tilespmem:s18+$0xFFFFFFD0] =	vst v5  }
0x36: {  	v56 =	vld.idx.msk [tilespmem:v0+s17+$0x30 ss:$0x1], $0xffff;
	[tilespmem:s18+$0xFFFFFFE0] =	vst v4  }
0x37: {  	v57 =	vld.idx.msk [tilespmem:v0+s17+$0xFFFFFFC0 ss:$0x1], $0xffff;
	[tilespmem:s18+$0xFFFFFFF0] =	vst v3  }
0x38: {  	v58 =	vld.idx.msk [tilespmem:v0+s17+$0xFFFFFFD0 ss:$0x1], $0xffff;
	[tilespmem:s18+$0x0] =	vst v1  }
0x39: {  	v59 =	vld.idx.msk [tilespmem:v0+s17+$0xFFFFFFE0 ss:$0x1], $0xffff;
	[tilespmem:s18+$0x10] =	vst v2  }
0x3a: {  	v60 =	vld.idx.msk [tilespmem:v0+s17+$0xFFFFFFF0 ss:$0x1], $0xffff;
	s31 =	sadd.s32 $0x800, s18;
	[tilespmem:s18+$0x20] =	vst v6  }
0x3b: {  	v61 =	vld.idx.msk [tilespmem:v0+s17+$0x0 ss:$0x1], $0xffff;
	[tilespmem:s31+$0x30] =	vst v56  }
0x3c: {  	v62 =	vld.idx.msk [tilespmem:v0+s17+$0x10 ss:$0x1], $0xffff;
	s16 =	sadd.s32 $0x1, s16;
	[tilespmem:s31+$0xFFFFFFC0] =	vst v57  }
0x3d: {  	v63 =	vld.idx.msk [tilespmem:v0+s17+$0x20 ss:$0x1], $0xffff;
	p1 =	sne.s32 s16, $0x10;
	[tilespmem:s31+$0xFFFFFFD0] =	vst v58  }
.Ltmp4:
0x3e: {  	[tilespmem:s31+$0xFFFFFFE0] =	vst v59;
	(pc) =	sbr.rel @p1 .LBB1_3-.Ltmp4, $4  }
0x3f: {  	[tilespmem:s31+$0xFFFFFFF0] =	vst v60  }
0x40: {  	[tilespmem:s31+$0x0] =	vst v61  }
0x41: {  	[tilespmem:s31+$0x10] =	vst v62  }
0x42: {  	s13 =	sadd.s32 $0x80, s13;
	s15 =	sadd.s32 $0x400, s15;
	[tilespmem:s31+$0x20] =	vst v63  }
.Ltmp5:
0x43: {  	(pc) =	sbr.rel .LBB1_7-.Ltmp5, $4  }
0x44: {  	s12 =	sshll.u32 s12, $0xD;
	s11 =	sshll.u32 s11, $0x4  }
0x45: {  	s11 =	sand.u32 $0x3F0, s11;
	s12 =	sadd.s32 s3, s12  }
0x46: {  	s11 =	sadd.s32 s11, s12  }
0x47: {  	[hbm4b:s11+s6] =	stream.strided.scatter [tilespmem:s14], [sflag:$0x2], $0x4000, s7, s6, $0x38;
	[tilespmem:$0x10000] =	vst v63  }
.LBB1_8:
0x48: {  	_ =	sfence.sel $0x180000  }
0x49: {  	s2 =	simm.s32 $0x1;
	[bflag:$0x0] =	sbarrier.arrive $0xFFFF  }
0x4a: {  	s31 =	simm.s32 $0x2;
	[sflag:s2] =	ssyncpa.u1 $0x1  }
0x4b: {  	[sflag:s31] =	ssyncpa.u1 $0x1  }
0x4c: {  	p0 =	sne.s32 s1, $0x0;
	_ =	strace $0x90000047  }
0x4d: {  	s0 =	sadd.s32 @!p0 $0x100000, s0;
	[bflag:$0x2] =	sbarrier.arrive $0xFFFF  }
0x4e: {  	[sflag:s0] =	ssyncadd.tile.s32 @!p0 $0x1;
	_ =	shalt  }
.Lfunc_end1:
_tile_overlayer_lowered:
.L_overlay_start_2:
0x4f: {  	(tag) =	ssettag $0x2  }
0x50: {  	s0 =	rddreg [dreg:$0x0];
	s2 =	stileid.u32  }
0x51: {  	s1 =	rddreg [dreg:$0x1];
	p0 =	sne.s32 s2, $0x0  }
0x52: {  	s3 =	rddreg [dreg:$0x2];
	[bflag:$0x3] =	sbarrier.arrive $0xFFFF;
	s2 =	simm.s32 @!p0 $0x1C01  }
0x53: {  	[timem:s3], [sflag:s2] =	dma.local @!p0 [hbm:s0], s1  }
0x54: {  	s0 =	simm.s32 @!p0 $0x1  }
0x55: {  	_ =	swait.ge @!p0 [sflag:s0], s1  }
0x56: {  	s1 =	ssub.s32 @!p0 $0x0, s1;
	[sflag:s0] =	ssyncset.done @!p0 $0x0  }
0x57: {  	[sflag:s0] =	ssyncadd.s32 @!p0 s1  }
0x58: {  	[bflag:$0x3] =	sbarrier.arrive $0xFFFF  }
0x59: {  	_ =	shalt  }

</sc_bundles>
